<compile_context>
chip_gen: v7x
topology: tpu7x:2x2x1
jax: 0.10.2.dev20260603
libtpu: 0.0.44.dev20260713+nightly
codegen_flags: <defaults>
</compile_context>

<pallas_src>
import functools

import jax
import jax.numpy as jnp
from jax import lax
from jax.experimental import pallas as pl
from jax.experimental.pallas import tpu as pltpu
from jax.experimental.pallas import tpu_sc as plsc

_G = 64
_NW = 32
_CH = 128


def _make_sc_aggregate(n, d, nchunks, npad):
    stripe = npad // 16
    mesh = plsc.VectorSubcoreMesh(core_axis_name="c", subcore_axis_name="s")

    @functools.partial(
        pl.kernel,
        mesh=mesh,
        out_type=jax.ShapeDtypeStruct((2, npad, d), jnp.float32),
        scratch_types=[
            pltpu.VMEM((nchunks, _CH), jnp.int32),
            pltpu.VMEM((nchunks, _CH), jnp.int32),
            pltpu.VMEM((_CH, d), jnp.float32),
            pltpu.VMEM_SHARED((npad, d), jnp.float32),
            pltpu.SemaphoreType.DMA,
        ],
    )
    def sc_agg(z_hbm, src_hbm, dst_hbm, zero_hbm, out_hbm,
               src_v, dst_v, row_v, agg_sh, sem):
        cid = lax.axis_index("c")
        sid = lax.axis_index("s")
        wid = cid * 16 + sid
        pltpu.sync_copy(src_hbm.at[wid], src_v)
        pltpu.sync_copy(dst_hbm.at[wid], dst_v)
        r0 = sid * stripe
        pltpu.sync_copy(zero_hbm.at[pl.ds(r0, stripe)],
                        agg_sh.at[pl.ds(r0, stripe)])
        plsc.subcore_barrier()

        def body(t, carry):
            pltpu.async_copy(z_hbm.at[src_v.at[t]], row_v, sem).wait()
            pltpu.sync_copy(row_v, agg_sh.at[dst_v.at[t]], add=True)
            return carry

        lax.fori_loop(0, nchunks, body, 0)
        plsc.subcore_barrier()
        pltpu.sync_copy(agg_sh.at[pl.ds(r0, stripe)],
                        out_hbm.at[cid, pl.ds(r0, stripe)])

    return sc_agg


def _make_tc_layer(n, d, h, g):

    def body(z_ref, agg_ref, w1_ref, b1_ref, w2_ref, b2_ref,
             gam_ref, bet_ref, bat_ref, zo_ref, go_ref):
        a = agg_ref[0] + agg_ref[1]
        x0 = z_ref[...] + a[0:n]
        x1 = jnp.dot(x0, w1_ref[...], preferred_element_type=jnp.float32)
        x1 = jnp.maximum(x1 + b1_ref[...][None, :], 0.0)
        x2 = jnp.dot(x1, w2_ref[...], preferred_element_type=jnp.float32)
        x2 = jnp.maximum(x2 + b2_ref[...][None, :], 0.0)
        mean = jnp.mean(x2, axis=0)
        c = x2 - mean[None, :]
        var = jnp.mean(c * c, axis=0)
        scale = lax.rsqrt(var + 1e-5) * gam_ref[...]
        hn = c * scale[None, :] + bet_ref[...][None, :]
        zo_ref[...] = hn
        onehot = (bat_ref[...] == lax.broadcasted_iota(
            jnp.int32, (g, n), 0)).astype(jnp.float32)
        go_ref[...] = jnp.dot(onehot, hn, preferred_element_type=jnp.float32)

    return pl.pallas_call(
        body,
        out_shape=(
            jax.ShapeDtypeStruct((n, h), jnp.float32),
            jax.ShapeDtypeStruct((g, h), jnp.float32),
        ),
    )


def kernel(x, edge_index, batch, params):
    n, d = x.shape
    e = edge_index.shape[1]
    hdim = params[0][0].shape[1]
    g = _G

    per_w = -(-e // _NW)
    nchunks = -(-per_w // _CH)
    epad = _NW * nchunks * _CH
    npad = -(-(n + 1) // 128) * 128

    src = edge_index[0]
    dst = edge_index[1]
    pad = epad - e
    src_p = jnp.concatenate(
        [src, jnp.zeros((pad,), jnp.int32)]).reshape(_NW, nchunks, _CH)
    dst_p = jnp.concatenate(
        [dst, jnp.full((pad,), n, jnp.int32)]).reshape(_NW, nchunks, _CH)
    zero_hbm = jnp.zeros((npad, d), jnp.float32)
    bat2 = batch[None, :].astype(jnp.int32)

    sc_agg = _make_sc_aggregate(n, d, nchunks, npad)

    z = x
    zs = []
    gs = []
    for li, (w1, b1, w2, b2, gamma, beta) in enumerate(params):
        agg2 = sc_agg(z, src_p, dst_p, zero_hbm)
        tc = _make_tc_layer(n, d if li == 0 else hdim, hdim, g)
        z, gp = tc(z, agg2, w1, b1, w2, b2, gamma, beta, bat2)
        zs.append(z)
        gs.append(gp)
    return jnp.concatenate(zs, axis=1), jnp.concatenate(gs, axis=1)

# --- scband reference (transcript-rebuilt; emitter-appended) ---
"""Pipeline reference for scband-gin-16501264351449 (READ-ONLY COPY).

The authoritative reference and input builder live on the scoring server;
editing this copy changes nothing except your own understanding.
"""

import jax, jax.numpy as jnp
import numpy as np

N = 10000
E = 320000
D = 128
H = 128
L = 3
G = 64


def setup_inputs(seed: int = 0) -> dict:
    key = jax.random.key(seed)
    ks = jax.random.split(key, 3 + 6 * L)
    x = jax.random.normal(ks[0], (N, D), dtype=jnp.float32)
    edge_index = jax.random.randint(ks[1], (2, E), 0, N, dtype=jnp.int32)
    batch = jnp.sort(jax.random.randint(ks[2], (N,), 0, G, dtype=jnp.int32))
    params = []
    ki = 3
    for l in range(L):
        ind = D if l == 0 else H
        W1 = jax.random.normal(ks[ki], (ind, H), dtype=jnp.float32) * (1.0 / np.sqrt(ind))
        b1 = jnp.zeros((H,), dtype=jnp.float32)
        W2 = jax.random.normal(ks[ki + 1], (H, H), dtype=jnp.float32) * (1.0 / np.sqrt(H))
        b2 = jnp.zeros((H,), dtype=jnp.float32)
        gamma = jnp.ones((H,), dtype=jnp.float32)
        beta = jnp.zeros((H,), dtype=jnp.float32)
        params.append((W1, b1, W2, b2, gamma, beta))
        ki += 2
    return {"x": x, "edge_index": edge_index, "batch": batch, "params": params}


def reference(x, edge_index, batch, params):
    # GIN: per layer z = BN(ReLU(MLP((1+eps)*z + sum_{j in N(i)} z_j))), eps=0
    src = edge_index[0]
    dst = edge_index[1]
    z = x
    zs = []
    for (W1, b1, W2, b2, gamma, beta) in params:
        agg = jax.ops.segment_sum(z[src], dst, num_segments=N)  # scatter-add aggregation
        h = z + agg  # (1+eps)*x_i + aggregated neighbors, eps=0
        h = jnp.maximum(h @ W1 + b1, 0.0)
        h = h @ W2 + b2
        h = jnp.maximum(h, 0.0)  # F.relu after conv
        # BatchNorm1d (training mode: batch statistics, biased variance)
        mean = jnp.mean(h, axis=0)
        var = jnp.var(h, axis=0)
        h = (h - mean) / jnp.sqrt(var + 1e-5) * gamma + beta
        z = h
        zs.append(z)
    gs = [jax.ops.segment_sum(z_l, batch, num_segments=G) for z_l in zs]
    z_cat = jnp.concatenate(zs, axis=1)
    g_cat = jnp.concatenate(gs, axis=1)
    return (z_cat, g_cat)

if __name__ == "__main__":
    import jax
    _d = setup_inputs()
    print(jax.jit(kernel)(*tuple(_d.values())))

</pallas_src>

<mosaic_0001>
#map = affine_map<(d0, d1) -> (0, 0)>
#map1 = affine_map<(d0, d1) -> (0, 0, 0)>
module attributes {stable_mosaic.version = 14 : i64} {
  func.func @sc_agg(%arg0: i32, %arg1: i32, %arg2: memref<10000x128xf32, #tpu.memory_space<hbm>>, %arg3: memref<32x79x128xi32, #tpu.memory_space<hbm>>, %arg4: memref<32x79x128xi32, #tpu.memory_space<hbm>>, %arg5: memref<10112x128xf32, #tpu.memory_space<hbm>>, %arg6: memref<2x10112x128xf32, #tpu.memory_space<hbm>>, %arg7: memref<79x128xi32, #tpu.memory_space<vmem>>, %arg8: memref<79x128xi32, #tpu.memory_space<vmem>>, %arg9: memref<128x128xf32, #tpu.memory_space<vmem>>, %arg10: memref<10112x128xf32, #tpu.memory_space<vmem_shared>>, %arg11: memref<!tpu.dma_semaphore, #tpu.memory_space<semaphore_mem>>) attributes {dimension_semantics = [#tpu.dimension_semantics<core_parallel>, #tpu.dimension_semantics<subcore_parallel>], iteration_bounds = array<i64: 2, 16>, scalar_prefetch = 0 : i64, scratch_operands = 5 : i64, tpu.core_type = #tpu.core_type<sc_vector_subcore>, window_params = [{transform_indices = #map}, {transform_indices = #map1}, {transform_indices = #map1}, {transform_indices = #map}, {transform_indices = #map1}]} {
    %mul3A = arith.constant 16 : i32
    %mul3A_0 = arith.muli %arg0, %mul3A : i32
    %add3A = arith.addi %mul3A_0, %arg1 : i32
    "tpu.region"() ({
      %run_scoped3A = tpu.sem_alloc : memref<!tpu.dma_semaphore, #tpu.memory_space<semaphore_mem>>
      %dma_start3A = arith.constant 0 : i32
      %dma_start3A_9 = arith.constant 0 : i32
      %dma_start3A_10 = tpu.memref_slice %arg3[%add3A, %dma_start3A, %dma_start3A_9] : memref<32x79x128xi32, #tpu.memory_space<hbm>> -> memref<1x79x128xi32, #tpu.memory_space<hbm>>
      %dma_start3A_11 = tpu.memref_squeeze %dma_start3A_10 : memref<1x79x128xi32, #tpu.memory_space<hbm>> -> memref<79x128xi32, #tpu.memory_space<hbm>>
      %dma_start3A_12 = arith.constant 0 : i32
      %dma_start3A_13 = arith.constant 0 : i32
      %dma_start3A_14 = tpu.memref_slice %arg3[%add3A, %dma_start3A_12, %dma_start3A_13] : memref<32x79x128xi32, #tpu.memory_space<hbm>> -> memref<1x79x128xi32, #tpu.memory_space<hbm>>
      %dma_start3A_15 = tpu.memref_squeeze %dma_start3A_14 : memref<1x79x128xi32, #tpu.memory_space<hbm>> -> memref<79x128xi32, #tpu.memory_space<hbm>>
      tpu.enqueue_dma source(%dma_start3A_15 : memref<79x128xi32, #tpu.memory_space<hbm>>) target(%arg7 : memref<79x128xi32, #tpu.memory_space<vmem>>) target_semaphore(%run_scoped3A : memref<!tpu.dma_semaphore, #tpu.memory_space<semaphore_mem>>)
      %dma_wait3A = arith.constant 0 : i32
      %dma_wait3A_16 = arith.constant 0 : i32
      %dma_wait3A_17 = tpu.memref_slice %arg3[%add3A, %dma_wait3A, %dma_wait3A_16] : memref<32x79x128xi32, #tpu.memory_space<hbm>> -> memref<1x79x128xi32, #tpu.memory_space<hbm>>
      %dma_wait3A_18 = tpu.memref_squeeze %dma_wait3A_17 : memref<1x79x128xi32, #tpu.memory_space<hbm>> -> memref<79x128xi32, #tpu.memory_space<hbm>>
      %dma_wait3A_19 = arith.constant 0 : i32
      %dma_wait3A_20 = arith.constant 0 : i32
      %dma_wait3A_21 = tpu.memref_slice %arg3[%add3A, %dma_wait3A_19, %dma_wait3A_20] : memref<32x79x128xi32, #tpu.memory_space<hbm>> -> memref<1x79x128xi32, #tpu.memory_space<hbm>>
      %dma_wait3A_22 = tpu.memref_squeeze %dma_wait3A_21 : memref<1x79x128xi32, #tpu.memory_space<hbm>> -> memref<79x128xi32, #tpu.memory_space<hbm>>
      tpu.wait_dma2 semaphore(%run_scoped3A : memref<!tpu.dma_semaphore, #tpu.memory_space<semaphore_mem>>) src(%dma_wait3A_22 : memref<79x128xi32, #tpu.memory_space<hbm>>) dst(%arg7 : memref<79x128xi32, #tpu.memory_space<vmem>>)
      tpu.yield
    }) : () -> ()
    "tpu.region"() ({
      %run_scoped3A = tpu.sem_alloc : memref<!tpu.dma_semaphore, #tpu.memory_space<semaphore_mem>>
      %dma_start3A = arith.constant 0 : i32
      %dma_start3A_9 = arith.constant 0 : i32
      %dma_start3A_10 = tpu.memref_slice %arg4[%add3A, %dma_start3A, %dma_start3A_9] : memref<32x79x128xi32, #tpu.memory_space<hbm>> -> memref<1x79x128xi32, #tpu.memory_space<hbm>>
      %dma_start3A_11 = tpu.memref_squeeze %dma_start3A_10 : memref<1x79x128xi32, #tpu.memory_space<hbm>> -> memref<79x128xi32, #tpu.memory_space<hbm>>
      %dma_start3A_12 = arith.constant 0 : i32
      %dma_start3A_13 = arith.constant 0 : i32
      %dma_start3A_14 = tpu.memref_slice %arg4[%add3A, %dma_start3A_12, %dma_start3A_13] : memref<32x79x128xi32, #tpu.memory_space<hbm>> -> memref<1x79x128xi32, #tpu.memory_space<hbm>>
      %dma_start3A_15 = tpu.memref_squeeze %dma_start3A_14 : memref<1x79x128xi32, #tpu.memory_space<hbm>> -> memref<79x128xi32, #tpu.memory_space<hbm>>
      tpu.enqueue_dma source(%dma_start3A_15 : memref<79x128xi32, #tpu.memory_space<hbm>>) target(%arg8 : memref<79x128xi32, #tpu.memory_space<vmem>>) target_semaphore(%run_scoped3A : memref<!tpu.dma_semaphore, #tpu.memory_space<semaphore_mem>>)
      %dma_wait3A = arith.constant 0 : i32
      %dma_wait3A_16 = arith.constant 0 : i32
      %dma_wait3A_17 = tpu.memref_slice %arg4[%add3A, %dma_wait3A, %dma_wait3A_16] : memref<32x79x128xi32, #tpu.memory_space<hbm>> -> memref<1x79x128xi32, #tpu.memory_space<hbm>>
      %dma_wait3A_18 = tpu.memref_squeeze %dma_wait3A_17 : memref<1x79x128xi32, #tpu.memory_space<hbm>> -> memref<79x128xi32, #tpu.memory_space<hbm>>
      %dma_wait3A_19 = arith.constant 0 : i32
      %dma_wait3A_20 = arith.constant 0 : i32
      %dma_wait3A_21 = tpu.memref_slice %arg4[%add3A, %dma_wait3A_19, %dma_wait3A_20] : memref<32x79x128xi32, #tpu.memory_space<hbm>> -> memref<1x79x128xi32, #tpu.memory_space<hbm>>
      %dma_wait3A_22 = tpu.memref_squeeze %dma_wait3A_21 : memref<1x79x128xi32, #tpu.memory_space<hbm>> -> memref<79x128xi32, #tpu.memory_space<hbm>>
      tpu.wait_dma2 semaphore(%run_scoped3A : memref<!tpu.dma_semaphore, #tpu.memory_space<semaphore_mem>>) src(%dma_wait3A_22 : memref<79x128xi32, #tpu.memory_space<hbm>>) dst(%arg8 : memref<79x128xi32, #tpu.memory_space<vmem>>)
      tpu.yield
    }) : () -> ()
    %mul3A_1 = arith.constant 632 : i32
    %mul3A_2 = arith.muli %arg1, %mul3A_1 : i32
    "tpu.region"() ({
      %run_scoped3A = tpu.sem_alloc : memref<!tpu.dma_semaphore, #tpu.memory_space<semaphore_mem>>
      %dma_start3A = arith.constant 0 : i32
      %dma_start3A_9 = tpu.memref_slice %arg10[%mul3A_2, %dma_start3A] : memref<10112x128xf32, #tpu.memory_space<vmem_shared>> -> memref<632x128xf32, #tpu.memory_space<vmem_shared>>
      %dma_start3A_10 = arith.constant 0 : i32
      %dma_start3A_11 = tpu.memref_slice %arg5[%mul3A_2, %dma_start3A_10] : memref<10112x128xf32, #tpu.memory_space<hbm>> -> memref<632x128xf32, #tpu.memory_space<hbm>>
      tpu.enqueue_dma source(%dma_start3A_11 : memref<632x128xf32, #tpu.memory_space<hbm>>) target(%dma_start3A_9 : memref<632x128xf32, #tpu.memory_space<vmem_shared>>) target_semaphore(%run_scoped3A : memref<!tpu.dma_semaphore, #tpu.memory_space<semaphore_mem>>)
      %dma_wait3A = arith.constant 0 : i32
      %dma_wait3A_12 = tpu.memref_slice %arg10[%mul3A_2, %dma_wait3A] : memref<10112x128xf32, #tpu.memory_space<vmem_shared>> -> memref<632x128xf32, #tpu.memory_space<vmem_shared>>
      %dma_wait3A_13 = arith.constant 0 : i32
      %dma_wait3A_14 = tpu.memref_slice %arg5[%mul3A_2, %dma_wait3A_13] : memref<10112x128xf32, #tpu.memory_space<hbm>> -> memref<632x128xf32, #tpu.memory_space<hbm>>
      tpu.wait_dma2 semaphore(%run_scoped3A : memref<!tpu.dma_semaphore, #tpu.memory_space<semaphore_mem>>) src(%dma_wait3A_14 : memref<632x128xf32, #tpu.memory_space<hbm>>) dst(%dma_wait3A_12 : memref<632x128xf32, #tpu.memory_space<vmem_shared>>)
      tpu.yield
    }) : () -> ()
    %barrier3A = arith.constant 0 : index
    tpu.barrier barrier_id(%barrier3A)
    %scan3A = arith.constant 0 : i32
    %scan3A_3 = arith.constant 0 : i32
    %scan3A_4 = arith.constant 79 : i32
    %scan3A_5 = arith.addi %scan3A_3, %scan3A_4 : i32
    %scan3A_6 = arith.constant 1 : i32
    scf.for %scan3A_9 = %scan3A_3 to %scan3A_5 step %scan3A_6  : i32 {
      %dma_start3A = arith.constant 0 : i32
      %dma_start3A_10 = tpu.memref_slice %arg7[%scan3A_9, %dma_start3A] : memref<79x128xi32, #tpu.memory_space<vmem>> -> memref<1x128xi32, #tpu.memory_space<vmem>>
      %dma_start3A_11 = tpu.memref_squeeze %dma_start3A_10 : memref<1x128xi32, #tpu.memory_space<vmem>> -> memref<128xi32, #tpu.memory_space<vmem>>
      %dma_start3A_12 = arith.constant 0 : i32
      %dma_start3A_13 = arith.constant 0 : i32
      %dma_start3A_14 = tpu.memref_slice %arg2[%dma_start3A_12, %dma_start3A_13] : memref<10000x128xf32, #tpu.memory_space<hbm>> -> memref<10000x128xf32, #tpu.memory_space<hbm>>
      tpu.enqueue_indirect_dma source(%dma_start3A_14 : memref<10000x128xf32, #tpu.memory_space<hbm>>) target(%arg9 : memref<128x128xf32, #tpu.memory_space<vmem>>) offsets(%dma_start3A_11 : memref<128xi32, #tpu.memory_space<vmem>>) semaphore(%arg11 : memref<!tpu.dma_semaphore, #tpu.memory_space<semaphore_mem>>)
      %dma_wait3A = arith.constant 0 : i32
      %dma_wait3A_15 = tpu.memref_slice %arg7[%scan3A_9, %dma_wait3A] : memref<79x128xi32, #tpu.memory_space<vmem>> -> memref<1x128xi32, #tpu.memory_space<vmem>>
      %dma_wait3A_16 = tpu.memref_squeeze %dma_wait3A_15 : memref<1x128xi32, #tpu.memory_space<vmem>> -> memref<128xi32, #tpu.memory_space<vmem>>
      %dma_wait3A_17 = arith.constant 0 : i32
      %dma_wait3A_18 = arith.constant 0 : i32
      %dma_wait3A_19 = tpu.memref_slice %arg2[%dma_wait3A_17, %dma_wait3A_18] : memref<10000x128xf32, #tpu.memory_space<hbm>> -> memref<10000x128xf32, #tpu.memory_space<hbm>>
      tpu.wait_indirect_dma semaphore(%arg11 : memref<!tpu.dma_semaphore, #tpu.memory_space<semaphore_mem>>) src(%dma_wait3A_19 : memref<10000x128xf32, #tpu.memory_space<hbm>>) dst(%arg9 : memref<128x128xf32, #tpu.memory_space<vmem>>)
      "tpu.region"() ({
        %run_scoped3A = tpu.sem_alloc : memref<!tpu.dma_semaphore, #tpu.memory_space<semaphore_mem>>
        %dma_start3A_20 = arith.constant 0 : i32
        %dma_start3A_21 = tpu.memref_slice %arg8[%scan3A_9, %dma_start3A_20] : memref<79x128xi32, #tpu.memory_space<vmem>> -> memref<1x128xi32, #tpu.memory_space<vmem>>
        %dma_start3A_22 = tpu.memref_squeeze %dma_start3A_21 : memref<1x128xi32, #tpu.memory_space<vmem>> -> memref<128xi32, #tpu.memory_space<vmem>>
        %dma_start3A_23 = arith.constant 0 : i32
        %dma_start3A_24 = arith.constant 0 : i32
        %dma_start3A_25 = tpu.memref_slice %arg10[%dma_start3A_23, %dma_start3A_24] : memref<10112x128xf32, #tpu.memory_space<vmem_shared>> -> memref<10112x128xf32, #tpu.memory_space<vmem_shared>>
        tpu.enqueue_indirect_dma source(%arg9 : memref<128x128xf32, #tpu.memory_space<vmem>>) target(%dma_start3A_25 : memref<10112x128xf32, #tpu.memory_space<vmem_shared>>) offsets(%dma_start3A_22 : memref<128xi32, #tpu.memory_space<vmem>>) semaphore(%run_scoped3A : memref<!tpu.dma_semaphore, #tpu.memory_space<semaphore_mem>>) {add = true}
        %dma_wait3A_26 = arith.constant 0 : i32
        %dma_wait3A_27 = tpu.memref_slice %arg8[%scan3A_9, %dma_wait3A_26] : memref<79x128xi32, #tpu.memory_space<vmem>> -> memref<1x128xi32, #tpu.memory_space<vmem>>
        %dma_wait3A_28 = tpu.memref_squeeze %dma_wait3A_27 : memref<1x128xi32, #tpu.memory_space<vmem>> -> memref<128xi32, #tpu.memory_space<vmem>>
        %dma_wait3A_29 = arith.constant 0 : i32
        %dma_wait3A_30 = arith.constant 0 : i32
        %dma_wait3A_31 = tpu.memref_slice %arg10[%dma_wait3A_29, %dma_wait3A_30] : memref<10112x128xf32, #tpu.memory_space<vmem_shared>> -> memref<10112x128xf32, #tpu.memory_space<vmem_shared>>
        tpu.wait_indirect_dma semaphore(%run_scoped3A : memref<!tpu.dma_semaphore, #tpu.memory_space<semaphore_mem>>) src(%arg9 : memref<128x128xf32, #tpu.memory_space<vmem>>) dst(%dma_wait3A_31 : memref<10112x128xf32, #tpu.memory_space<vmem_shared>>)
        tpu.yield
      }) : () -> ()
    }
    %scan3A_7 = arith.constant 79 : i32
    %barrier3A_8 = arith.constant 0 : index
    tpu.barrier barrier_id(%barrier3A_8)
    "tpu.region"() ({
      %run_scoped3A = tpu.sem_alloc : memref<!tpu.dma_semaphore, #tpu.memory_space<semaphore_mem>>
      %dma_start3A = arith.constant 0 : i32
      %dma_start3A_9 = tpu.memref_slice %arg6[%arg0, %mul3A_2, %dma_start3A] : memref<2x10112x128xf32, #tpu.memory_space<hbm>> -> memref<1x632x128xf32, #tpu.memory_space<hbm>>
      %dma_start3A_10 = tpu.memref_squeeze %dma_start3A_9 : memref<1x632x128xf32, #tpu.memory_space<hbm>> -> memref<632x128xf32, #tpu.memory_space<hbm>>
      %dma_start3A_11 = arith.constant 0 : i32
      %dma_start3A_12 = tpu.memref_slice %arg10[%mul3A_2, %dma_start3A_11] : memref<10112x128xf32, #tpu.memory_space<vmem_shared>> -> memref<632x128xf32, #tpu.memory_space<vmem_shared>>
      tpu.enqueue_dma source(%dma_start3A_12 : memref<632x128xf32, #tpu.memory_space<vmem_shared>>) target(%dma_start3A_10 : memref<632x128xf32, #tpu.memory_space<hbm>>) target_semaphore(%run_scoped3A : memref<!tpu.dma_semaphore, #tpu.memory_space<semaphore_mem>>)
      %dma_wait3A = arith.constant 0 : i32
      %dma_wait3A_13 = tpu.memref_slice %arg6[%arg0, %mul3A_2, %dma_wait3A] : memref<2x10112x128xf32, #tpu.memory_space<hbm>> -> memref<1x632x128xf32, #tpu.memory_space<hbm>>
      %dma_wait3A_14 = tpu.memref_squeeze %dma_wait3A_13 : memref<1x632x128xf32, #tpu.memory_space<hbm>> -> memref<632x128xf32, #tpu.memory_space<hbm>>
      %dma_wait3A_15 = arith.constant 0 : i32
      %dma_wait3A_16 = tpu.memref_slice %arg10[%mul3A_2, %dma_wait3A_15] : memref<10112x128xf32, #tpu.memory_space<vmem_shared>> -> memref<632x128xf32, #tpu.memory_space<vmem_shared>>
      tpu.wait_dma2 semaphore(%run_scoped3A : memref<!tpu.dma_semaphore, #tpu.memory_space<semaphore_mem>>) src(%dma_wait3A_16 : memref<632x128xf32, #tpu.memory_space<vmem_shared>>) dst(%dma_wait3A_14 : memref<632x128xf32, #tpu.memory_space<hbm>>)
      tpu.yield
    }) : () -> ()
    return
  }
}

#map = affine_map<(d0, d1) -> (0, 0)>
#map1 = affine_map<(d0, d1) -> (0, 0, 0)>
module attributes {stable_mosaic.version = 14 : i64} {
  func.func @sc_agg(%arg0: i32, %arg1: i32, %arg2: memref<10000x128xf32, #tpu.memory_space<hbm>>, %arg3: memref<32x79x128xi32, #tpu.memory_space<hbm>>, %arg4: memref<32x79x128xi32, #tpu.memory_space<hbm>>, %arg5: memref<10112x128xf32, #tpu.memory_space<hbm>>, %arg6: memref<2x10112x128xf32, #tpu.memory_space<hbm>>, %arg7: memref<79x128xi32, #tpu.memory_space<vmem>>, %arg8: memref<79x128xi32, #tpu.memory_space<vmem>>, %arg9: memref<128x128xf32, #tpu.memory_space<vmem>>, %arg10: memref<10112x128xf32, #tpu.memory_space<vmem_shared>>, %arg11: memref<!tpu.dma_semaphore, #tpu.memory_space<semaphore_mem>>) attributes {dimension_semantics = [#tpu.dimension_semantics<core_parallel>, #tpu.dimension_semantics<subcore_parallel>], iteration_bounds = array<i64: 2, 16>, scalar_prefetch = 0 : i64, scratch_operands = 5 : i64, tpu.core_type = #tpu.core_type<sc_vector_subcore>, window_params = [{transform_indices = #map}, {transform_indices = #map1}, {transform_indices = #map1}, {transform_indices = #map}, {transform_indices = #map1}]} {
    %mul3A = arith.constant 16 : i32
    %mul3A_0 = arith.muli %arg0, %mul3A : i32
    %add3A = arith.addi %mul3A_0, %arg1 : i32
    "tpu.region"() ({
      %run_scoped3A = tpu.sem_alloc : memref<!tpu.dma_semaphore, #tpu.memory_space<semaphore_mem>>
      %dma_start3A = arith.constant 0 : i32
      %dma_start3A_9 = arith.constant 0 : i32
      %dma_start3A_10 = tpu.memref_slice %arg3[%add3A, %dma_start3A, %dma_start3A_9] : memref<32x79x128xi32, #tpu.memory_space<hbm>> -> memref<1x79x128xi32, #tpu.memory_space<hbm>>
      %dma_start3A_11 = tpu.memref_squeeze %dma_start3A_10 : memref<1x79x128xi32, #tpu.memory_space<hbm>> -> memref<79x128xi32, #tpu.memory_space<hbm>>
      %dma_start3A_12 = arith.constant 0 : i32
      %dma_start3A_13 = arith.constant 0 : i32
      %dma_start3A_14 = tpu.memref_slice %arg3[%add3A, %dma_start3A_12, %dma_start3A_13] : memref<32x79x128xi32, #tpu.memory_space<hbm>> -> memref<1x79x128xi32, #tpu.memory_space<hbm>>
      %dma_start3A_15 = tpu.memref_squeeze %dma_start3A_14 : memref<1x79x128xi32, #tpu.memory_space<hbm>> -> memref<79x128xi32, #tpu.memory_space<hbm>>
      tpu.enqueue_dma source(%dma_start3A_15 : memref<79x128xi32, #tpu.memory_space<hbm>>) target(%arg7 : memref<79x128xi32, #tpu.memory_space<vmem>>) target_semaphore(%run_scoped3A : memref<!tpu.dma_semaphore, #tpu.memory_space<semaphore_mem>>)
      %dma_wait3A = arith.constant 0 : i32
      %dma_wait3A_16 = arith.constant 0 : i32
      %dma_wait3A_17 = tpu.memref_slice %arg3[%add3A, %dma_wait3A, %dma_wait3A_16] : memref<32x79x128xi32, #tpu.memory_space<hbm>> -> memref<1x79x128xi32, #tpu.memory_space<hbm>>
      %dma_wait3A_18 = tpu.memref_squeeze %dma_wait3A_17 : memref<1x79x128xi32, #tpu.memory_space<hbm>> -> memref<79x128xi32, #tpu.memory_space<hbm>>
      %dma_wait3A_19 = arith.constant 0 : i32
      %dma_wait3A_20 = arith.constant 0 : i32
      %dma_wait3A_21 = tpu.memref_slice %arg3[%add3A, %dma_wait3A_19, %dma_wait3A_20] : memref<32x79x128xi32, #tpu.memory_space<hbm>> -> memref<1x79x128xi32, #tpu.memory_space<hbm>>
      %dma_wait3A_22 = tpu.memref_squeeze %dma_wait3A_21 : memref<1x79x128xi32, #tpu.memory_space<hbm>> -> memref<79x128xi32, #tpu.memory_space<hbm>>
      tpu.wait_dma2 semaphore(%run_scoped3A : memref<!tpu.dma_semaphore, #tpu.memory_space<semaphore_mem>>) src(%dma_wait3A_22 : memref<79x128xi32, #tpu.memory_space<hbm>>) dst(%arg7 : memref<79x128xi32, #tpu.memory_space<vmem>>)
      tpu.yield
    }) : () -> ()
    "tpu.region"() ({
      %run_scoped3A = tpu.sem_alloc : memref<!tpu.dma_semaphore, #tpu.memory_space<semaphore_mem>>
      %dma_start3A = arith.constant 0 : i32
      %dma_start3A_9 = arith.constant 0 : i32
      %dma_start3A_10 = tpu.memref_slice %arg4[%add3A, %dma_start3A, %dma_start3A_9] : memref<32x79x128xi32, #tpu.memory_space<hbm>> -> memref<1x79x128xi32, #tpu.memory_space<hbm>>
      %dma_start3A_11 = tpu.memref_squeeze %dma_start3A_10 : memref<1x79x128xi32, #tpu.memory_space<hbm>> -> memref<79x128xi32, #tpu.memory_space<hbm>>
      %dma_start3A_12 = arith.constant 0 : i32
      %dma_start3A_13 = arith.constant 0 : i32
      %dma_start3A_14 = tpu.memref_slice %arg4[%add3A, %dma_start3A_12, %dma_start3A_13] : memref<32x79x128xi32, #tpu.memory_space<hbm>> -> memref<1x79x128xi32, #tpu.memory_space<hbm>>
      %dma_start3A_15 = tpu.memref_squeeze %dma_start3A_14 : memref<1x79x128xi32, #tpu.memory_space<hbm>> -> memref<79x128xi32, #tpu.memory_space<hbm>>
      tpu.enqueue_dma source(%dma_start3A_15 : memref<79x128xi32, #tpu.memory_space<hbm>>) target(%arg8 : memref<79x128xi32, #tpu.memory_space<vmem>>) target_semaphore(%run_scoped3A : memref<!tpu.dma_semaphore, #tpu.memory_space<semaphore_mem>>)
      %dma_wait3A = arith.constant 0 : i32
      %dma_wait3A_16 = arith.constant 0 : i32
      %dma_wait3A_17 = tpu.memref_slice %arg4[%add3A, %dma_wait3A, %dma_wait3A_16] : memref<32x79x128xi32, #tpu.memory_space<hbm>> -> memref<1x79x128xi32, #tpu.memory_space<hbm>>
      %dma_wait3A_18 = tpu.memref_squeeze %dma_wait3A_17 : memref<1x79x128xi32, #tpu.memory_space<hbm>> -> memref<79x128xi32, #tpu.memory_space<hbm>>
      %dma_wait3A_19 = arith.constant 0 : i32
      %dma_wait3A_20 = arith.constant 0 : i32
      %dma_wait3A_21 = tpu.memref_slice %arg4[%add3A, %dma_wait3A_19, %dma_wait3A_20] : memref<32x79x128xi32, #tpu.memory_space<hbm>> -> memref<1x79x128xi32, #tpu.memory_space<hbm>>
      %dma_wait3A_22 = tpu.memref_squeeze %dma_wait3A_21 : memref<1x79x128xi32, #tpu.memory_space<hbm>> -> memref<79x128xi32, #tpu.memory_space<hbm>>
      tpu.wait_dma2 semaphore(%run_scoped3A : memref<!tpu.dma_semaphore, #tpu.memory_space<semaphore_mem>>) src(%dma_wait3A_22 : memref<79x128xi32, #tpu.memory_space<hbm>>) dst(%arg8 : memref<79x128xi32, #tpu.memory_space<vmem>>)
      tpu.yield
    }) : () -> ()
    %mul3A_1 = arith.constant 632 : i32
    %mul3A_2 = arith.muli %arg1, %mul3A_1 : i32
    "tpu.region"() ({
      %run_scoped3A = tpu.sem_alloc : memref<!tpu.dma_semaphore, #tpu.memory_space<semaphore_mem>>
      %dma_start3A = arith.constant 0 : i32
      %dma_start3A_9 = tpu.memref_slice %arg10[%mul3A_2, %dma_start3A] : memref<10112x128xf32, #tpu.memory_space<vmem_shared>> -> memref<632x128xf32, #tpu.memory_space<vmem_shared>>
      %dma_start3A_10 = arith.constant 0 : i32
      %dma_start3A_11 = tpu.memref_slice %arg5[%mul3A_2, %dma_start3A_10] : memref<10112x128xf32, #tpu.memory_space<hbm>> -> memref<632x128xf32, #tpu.memory_space<hbm>>
      tpu.enqueue_dma source(%dma_start3A_11 : memref<632x128xf32, #tpu.memory_space<hbm>>) target(%dma_start3A_9 : memref<632x128xf32, #tpu.memory_space<vmem_shared>>) target_semaphore(%run_scoped3A : memref<!tpu.dma_semaphore, #tpu.memory_space<semaphore_mem>>)
      %dma_wait3A = arith.constant 0 : i32
      %dma_wait3A_12 = tpu.memref_slice %arg10[%mul3A_2, %dma_wait3A] : memref<10112x128xf32, #tpu.memory_space<vmem_shared>> -> memref<632x128xf32, #tpu.memory_space<vmem_shared>>
      %dma_wait3A_13 = arith.constant 0 : i32
      %dma_wait3A_14 = tpu.memref_slice %arg5[%mul3A_2, %dma_wait3A_13] : memref<10112x128xf32, #tpu.memory_space<hbm>> -> memref<632x128xf32, #tpu.memory_space<hbm>>
      tpu.wait_dma2 semaphore(%run_scoped3A : memref<!tpu.dma_semaphore, #tpu.memory_space<semaphore_mem>>) src(%dma_wait3A_14 : memref<632x128xf32, #tpu.memory_space<hbm>>) dst(%dma_wait3A_12 : memref<632x128xf32, #tpu.memory_space<vmem_shared>>)
      tpu.yield
    }) : () -> ()
    %barrier3A = arith.constant 0 : index
    tpu.barrier barrier_id(%barrier3A)
    %scan3A = arith.constant 0 : i32
    %scan3A_3 = arith.constant 0 : i32
    %scan3A_4 = arith.constant 79 : i32
    %scan3A_5 = arith.addi %scan3A_3, %scan3A_4 : i32
    %scan3A_6 = arith.constant 1 : i32
    scf.for %scan3A_9 = %scan3A_3 to %scan3A_5 step %scan3A_6  : i32 {
      %dma_start3A = arith.constant 0 : i32
      %dma_start3A_10 = tpu.memref_slice %arg7[%scan3A_9, %dma_start3A] : memref<79x128xi32, #tpu.memory_space<vmem>> -> memref<1x128xi32, #tpu.memory_space<vmem>>
      %dma_start3A_11 = tpu.memref_squeeze %dma_start3A_10 : memref<1x128xi32, #tpu.memory_space<vmem>> -> memref<128xi32, #tpu.memory_space<vmem>>
      %dma_start3A_12 = arith.constant 0 : i32
      %dma_start3A_13 = arith.constant 0 : i32
      %dma_start3A_14 = tpu.memref_slice %arg2[%dma_start3A_12, %dma_start3A_13] : memref<10000x128xf32, #tpu.memory_space<hbm>> -> memref<10000x128xf32, #tpu.memory_space<hbm>>
      tpu.enqueue_indirect_dma source(%dma_start3A_14 : memref<10000x128xf32, #tpu.memory_space<hbm>>) target(%arg9 : memref<128x128xf32, #tpu.memory_space<vmem>>) offsets(%dma_start3A_11 : memref<128xi32, #tpu.memory_space<vmem>>) semaphore(%arg11 : memref<!tpu.dma_semaphore, #tpu.memory_space<semaphore_mem>>)
      %dma_wait3A = arith.constant 0 : i32
      %dma_wait3A_15 = tpu.memref_slice %arg7[%scan3A_9, %dma_wait3A] : memref<79x128xi32, #tpu.memory_space<vmem>> -> memref<1x128xi32, #tpu.memory_space<vmem>>
      %dma_wait3A_16 = tpu.memref_squeeze %dma_wait3A_15 : memref<1x128xi32, #tpu.memory_space<vmem>> -> memref<128xi32, #tpu.memory_space<vmem>>
      %dma_wait3A_17 = arith.constant 0 : i32
      %dma_wait3A_18 = arith.constant 0 : i32
      %dma_wait3A_19 = tpu.memref_slice %arg2[%dma_wait3A_17, %dma_wait3A_18] : memref<10000x128xf32, #tpu.memory_space<hbm>> -> memref<10000x128xf32, #tpu.memory_space<hbm>>
      tpu.wait_indirect_dma semaphore(%arg11 : memref<!tpu.dma_semaphore, #tpu.memory_space<semaphore_mem>>) src(%dma_wait3A_19 : memref<10000x128xf32, #tpu.memory_space<hbm>>) dst(%arg9 : memref<128x128xf32, #tpu.memory_space<vmem>>)
      "tpu.region"() ({
        %run_scoped3A = tpu.sem_alloc : memref<!tpu.dma_semaphore, #tpu.memory_space<semaphore_mem>>
        %dma_start3A_20 = arith.constant 0 : i32
        %dma_start3A_21 = tpu.memref_slice %arg8[%scan3A_9, %dma_start3A_20] : memref<79x128xi32, #tpu.memory_space<vmem>> -> memref<1x128xi32, #tpu.memory_space<vmem>>
        %dma_start3A_22 = tpu.memref_squeeze %dma_start3A_21 : memref<1x128xi32, #tpu.memory_space<vmem>> -> memref<128xi32, #tpu.memory_space<vmem>>
        %dma_start3A_23 = arith.constant 0 : i32
        %dma_start3A_24 = arith.constant 0 : i32
        %dma_start3A_25 = tpu.memref_slice %arg10[%dma_start3A_23, %dma_start3A_24] : memref<10112x128xf32, #tpu.memory_space<vmem_shared>> -> memref<10112x128xf32, #tpu.memory_space<vmem_shared>>
        tpu.enqueue_indirect_dma source(%arg9 : memref<128x128xf32, #tpu.memory_space<vmem>>) target(%dma_start3A_25 : memref<10112x128xf32, #tpu.memory_space<vmem_shared>>) offsets(%dma_start3A_22 : memref<128xi32, #tpu.memory_space<vmem>>) semaphore(%run_scoped3A : memref<!tpu.dma_semaphore, #tpu.memory_space<semaphore_mem>>) {add = true}
        %dma_wait3A_26 = arith.constant 0 : i32
        %dma_wait3A_27 = tpu.memref_slice %arg8[%scan3A_9, %dma_wait3A_26] : memref<79x128xi32, #tpu.memory_space<vmem>> -> memref<1x128xi32, #tpu.memory_space<vmem>>
        %dma_wait3A_28 = tpu.memref_squeeze %dma_wait3A_27 : memref<1x128xi32, #tpu.memory_space<vmem>> -> memref<128xi32, #tpu.memory_space<vmem>>
        %dma_wait3A_29 = arith.constant 0 : i32
        %dma_wait3A_30 = arith.constant 0 : i32
        %dma_wait3A_31 = tpu.memref_slice %arg10[%dma_wait3A_29, %dma_wait3A_30] : memref<10112x128xf32, #tpu.memory_space<vmem_shared>> -> memref<10112x128xf32, #tpu.memory_space<vmem_shared>>
        tpu.wait_indirect_dma semaphore(%run_scoped3A : memref<!tpu.dma_semaphore, #tpu.memory_space<semaphore_mem>>) src(%arg9 : memref<128x128xf32, #tpu.memory_space<vmem>>) dst(%dma_wait3A_31 : memref<10112x128xf32, #tpu.memory_space<vmem_shared>>)
        tpu.yield
      }) : () -> ()
    }
    %scan3A_7 = arith.constant 79 : i32
    %barrier3A_8 = arith.constant 0 : index
    tpu.barrier barrier_id(%barrier3A_8)
    "tpu.region"() ({
      %run_scoped3A = tpu.sem_alloc : memref<!tpu.dma_semaphore, #tpu.memory_space<semaphore_mem>>
      %dma_start3A = arith.constant 0 : i32
      %dma_start3A_9 = tpu.memref_slice %arg6[%arg0, %mul3A_2, %dma_start3A] : memref<2x10112x128xf32, #tpu.memory_space<hbm>> -> memref<1x632x128xf32, #tpu.memory_space<hbm>>
      %dma_start3A_10 = tpu.memref_squeeze %dma_start3A_9 : memref<1x632x128xf32, #tpu.memory_space<hbm>> -> memref<632x128xf32, #tpu.memory_space<hbm>>
      %dma_start3A_11 = arith.constant 0 : i32
      %dma_start3A_12 = tpu.memref_slice %arg10[%mul3A_2, %dma_start3A_11] : memref<10112x128xf32, #tpu.memory_space<vmem_shared>> -> memref<632x128xf32, #tpu.memory_space<vmem_shared>>
      tpu.enqueue_dma source(%dma_start3A_12 : memref<632x128xf32, #tpu.memory_space<vmem_shared>>) target(%dma_start3A_10 : memref<632x128xf32, #tpu.memory_space<hbm>>) target_semaphore(%run_scoped3A : memref<!tpu.dma_semaphore, #tpu.memory_space<semaphore_mem>>)
      %dma_wait3A = arith.constant 0 : i32
      %dma_wait3A_13 = tpu.memref_slice %arg6[%arg0, %mul3A_2, %dma_wait3A] : memref<2x10112x128xf32, #tpu.memory_space<hbm>> -> memref<1x632x128xf32, #tpu.memory_space<hbm>>
      %dma_wait3A_14 = tpu.memref_squeeze %dma_wait3A_13 : memref<1x632x128xf32, #tpu.memory_space<hbm>> -> memref<632x128xf32, #tpu.memory_space<hbm>>
      %dma_wait3A_15 = arith.constant 0 : i32
      %dma_wait3A_16 = tpu.memref_slice %arg10[%mul3A_2, %dma_wait3A_15] : memref<10112x128xf32, #tpu.memory_space<vmem_shared>> -> memref<632x128xf32, #tpu.memory_space<vmem_shared>>
      tpu.wait_dma2 semaphore(%run_scoped3A : memref<!tpu.dma_semaphore, #tpu.memory_space<semaphore_mem>>) src(%dma_wait3A_16 : memref<632x128xf32, #tpu.memory_space<vmem_shared>>) dst(%dma_wait3A_14 : memref<632x128xf32, #tpu.memory_space<hbm>>)
      tpu.yield
    }) : () -> ()
    return
  }
}

#map = affine_map<(d0, d1) -> (0, 0)>
#map1 = affine_map<(d0, d1) -> (0, 0, 0)>
module attributes {stable_mosaic.version = 14 : i64} {
  func.func @sc_agg(%arg0: i32, %arg1: i32, %arg2: memref<10000x128xf32, #tpu.memory_space<hbm>>, %arg3: memref<32x79x128xi32, #tpu.memory_space<hbm>>, %arg4: memref<32x79x128xi32, #tpu.memory_space<hbm>>, %arg5: memref<10112x128xf32, #tpu.memory_space<hbm>>, %arg6: memref<2x10112x128xf32, #tpu.memory_space<hbm>>, %arg7: memref<79x128xi32, #tpu.memory_space<vmem>>, %arg8: memref<79x128xi32, #tpu.memory_space<vmem>>, %arg9: memref<128x128xf32, #tpu.memory_space<vmem>>, %arg10: memref<10112x128xf32, #tpu.memory_space<vmem_shared>>, %arg11: memref<!tpu.dma_semaphore, #tpu.memory_space<semaphore_mem>>) attributes {dimension_semantics = [#tpu.dimension_semantics<core_parallel>, #tpu.dimension_semantics<subcore_parallel>], iteration_bounds = array<i64: 2, 16>, scalar_prefetch = 0 : i64, scratch_operands = 5 : i64, tpu.core_type = #tpu.core_type<sc_vector_subcore>, window_params = [{transform_indices = #map}, {transform_indices = #map1}, {transform_indices = #map1}, {transform_indices = #map}, {transform_indices = #map1}]} {
    %mul3A = arith.constant 16 : i32
    %mul3A_0 = arith.muli %arg0, %mul3A : i32
    %add3A = arith.addi %mul3A_0, %arg1 : i32
    "tpu.region"() ({
      %run_scoped3A = tpu.sem_alloc : memref<!tpu.dma_semaphore, #tpu.memory_space<semaphore_mem>>
      %dma_start3A = arith.constant 0 : i32
      %dma_start3A_9 = arith.constant 0 : i32
      %dma_start3A_10 = tpu.memref_slice %arg3[%add3A, %dma_start3A, %dma_start3A_9] : memref<32x79x128xi32, #tpu.memory_space<hbm>> -> memref<1x79x128xi32, #tpu.memory_space<hbm>>
      %dma_start3A_11 = tpu.memref_squeeze %dma_start3A_10 : memref<1x79x128xi32, #tpu.memory_space<hbm>> -> memref<79x128xi32, #tpu.memory_space<hbm>>
      %dma_start3A_12 = arith.constant 0 : i32
      %dma_start3A_13 = arith.constant 0 : i32
      %dma_start3A_14 = tpu.memref_slice %arg3[%add3A, %dma_start3A_12, %dma_start3A_13] : memref<32x79x128xi32, #tpu.memory_space<hbm>> -> memref<1x79x128xi32, #tpu.memory_space<hbm>>
      %dma_start3A_15 = tpu.memref_squeeze %dma_start3A_14 : memref<1x79x128xi32, #tpu.memory_space<hbm>> -> memref<79x128xi32, #tpu.memory_space<hbm>>
      tpu.enqueue_dma source(%dma_start3A_15 : memref<79x128xi32, #tpu.memory_space<hbm>>) target(%arg7 : memref<79x128xi32, #tpu.memory_space<vmem>>) target_semaphore(%run_scoped3A : memref<!tpu.dma_semaphore, #tpu.memory_space<semaphore_mem>>)
      %dma_wait3A = arith.constant 0 : i32
      %dma_wait3A_16 = arith.constant 0 : i32
      %dma_wait3A_17 = tpu.memref_slice %arg3[%add3A, %dma_wait3A, %dma_wait3A_16] : memref<32x79x128xi32, #tpu.memory_space<hbm>> -> memref<1x79x128xi32, #tpu.memory_space<hbm>>
      %dma_wait3A_18 = tpu.memref_squeeze %dma_wait3A_17 : memref<1x79x128xi32, #tpu.memory_space<hbm>> -> memref<79x128xi32, #tpu.memory_space<hbm>>
      %dma_wait3A_19 = arith.constant 0 : i32
      %dma_wait3A_20 = arith.constant 0 : i32
      %dma_wait3A_21 = tpu.memref_slice %arg3[%add3A, %dma_wait3A_19, %dma_wait3A_20] : memref<32x79x128xi32, #tpu.memory_space<hbm>> -> memref<1x79x128xi32, #tpu.memory_space<hbm>>
      %dma_wait3A_22 = tpu.memref_squeeze %dma_wait3A_21 : memref<1x79x128xi32, #tpu.memory_space<hbm>> -> memref<79x128xi32, #tpu.memory_space<hbm>>
      tpu.wait_dma2 semaphore(%run_scoped3A : memref<!tpu.dma_semaphore, #tpu.memory_space<semaphore_mem>>) src(%dma_wait3A_22 : memref<79x128xi32, #tpu.memory_space<hbm>>) dst(%arg7 : memref<79x128xi32, #tpu.memory_space<vmem>>)
      tpu.yield
    }) : () -> ()
    "tpu.region"() ({
      %run_scoped3A = tpu.sem_alloc : memref<!tpu.dma_semaphore, #tpu.memory_space<semaphore_mem>>
      %dma_start3A = arith.constant 0 : i32
      %dma_start3A_9 = arith.constant 0 : i32
      %dma_start3A_10 = tpu.memref_slice %arg4[%add3A, %dma_start3A, %dma_start3A_9] : memref<32x79x128xi32, #tpu.memory_space<hbm>> -> memref<1x79x128xi32, #tpu.memory_space<hbm>>
      %dma_start3A_11 = tpu.memref_squeeze %dma_start3A_10 : memref<1x79x128xi32, #tpu.memory_space<hbm>> -> memref<79x128xi32, #tpu.memory_space<hbm>>
      %dma_start3A_12 = arith.constant 0 : i32
      %dma_start3A_13 = arith.constant 0 : i32
      %dma_start3A_14 = tpu.memref_slice %arg4[%add3A, %dma_start3A_12, %dma_start3A_13] : memref<32x79x128xi32, #tpu.memory_space<hbm>> -> memref<1x79x128xi32, #tpu.memory_space<hbm>>
      %dma_start3A_15 = tpu.memref_squeeze %dma_start3A_14 : memref<1x79x128xi32, #tpu.memory_space<hbm>> -> memref<79x128xi32, #tpu.memory_space<hbm>>
      tpu.enqueue_dma source(%dma_start3A_15 : memref<79x128xi32, #tpu.memory_space<hbm>>) target(%arg8 : memref<79x128xi32, #tpu.memory_space<vmem>>) target_semaphore(%run_scoped3A : memref<!tpu.dma_semaphore, #tpu.memory_space<semaphore_mem>>)
      %dma_wait3A = arith.constant 0 : i32
      %dma_wait3A_16 = arith.constant 0 : i32
      %dma_wait3A_17 = tpu.memref_slice %arg4[%add3A, %dma_wait3A, %dma_wait3A_16] : memref<32x79x128xi32, #tpu.memory_space<hbm>> -> memref<1x79x128xi32, #tpu.memory_space<hbm>>
      %dma_wait3A_18 = tpu.memref_squeeze %dma_wait3A_17 : memref<1x79x128xi32, #tpu.memory_space<hbm>> -> memref<79x128xi32, #tpu.memory_space<hbm>>
      %dma_wait3A_19 = arith.constant 0 : i32
      %dma_wait3A_20 = arith.constant 0 : i32
      %dma_wait3A_21 = tpu.memref_slice %arg4[%add3A, %dma_wait3A_19, %dma_wait3A_20] : memref<32x79x128xi32, #tpu.memory_space<hbm>> -> memref<1x79x128xi32, #tpu.memory_space<hbm>>
      %dma_wait3A_22 = tpu.memref_squeeze %dma_wait3A_21 : memref<1x79x128xi32, #tpu.memory_space<hbm>> -> memref<79x128xi32, #tpu.memory_space<hbm>>
      tpu.wait_dma2 semaphore(%run_scoped3A : memref<!tpu.dma_semaphore, #tpu.memory_space<semaphore_mem>>) src(%dma_wait3A_22 : memref<79x128xi32, #tpu.memory_space<hbm>>) dst(%arg8 : memref<79x128xi32, #tpu.memory_space<vmem>>)
      tpu.yield
    }) : () -> ()
    %mul3A_1 = arith.constant 632 : i32
    %mul3A_2 = arith.muli %arg1, %mul3A_1 : i32
    "tpu.region"() ({
      %run_scoped3A = tpu.sem_alloc : memref<!tpu.dma_semaphore, #tpu.memory_space<semaphore_mem>>
      %dma_start3A = arith.constant 0 : i32
      %dma_start3A_9 = tpu.memref_slice %arg10[%mul3A_2, %dma_start3A] : memref<10112x128xf32, #tpu.memory_space<vmem_shared>> -> memref<632x128xf32, #tpu.memory_space<vmem_shared>>
      %dma_start3A_10 = arith.constant 0 : i32
      %dma_start3A_11 = tpu.memref_slice %arg5[%mul3A_2, %dma_start3A_10] : memref<10112x128xf32, #tpu.memory_space<hbm>> -> memref<632x128xf32, #tpu.memory_space<hbm>>
      tpu.enqueue_dma source(%dma_start3A_11 : memref<632x128xf32, #tpu.memory_space<hbm>>) target(%dma_start3A_9 : memref<632x128xf32, #tpu.memory_space<vmem_shared>>) target_semaphore(%run_scoped3A : memref<!tpu.dma_semaphore, #tpu.memory_space<semaphore_mem>>)
      %dma_wait3A = arith.constant 0 : i32
      %dma_wait3A_12 = tpu.memref_slice %arg10[%mul3A_2, %dma_wait3A] : memref<10112x128xf32, #tpu.memory_space<vmem_shared>> -> memref<632x128xf32, #tpu.memory_space<vmem_shared>>
      %dma_wait3A_13 = arith.constant 0 : i32
      %dma_wait3A_14 = tpu.memref_slice %arg5[%mul3A_2, %dma_wait3A_13] : memref<10112x128xf32, #tpu.memory_space<hbm>> -> memref<632x128xf32, #tpu.memory_space<hbm>>
      tpu.wait_dma2 semaphore(%run_scoped3A : memref<!tpu.dma_semaphore, #tpu.memory_space<semaphore_mem>>) src(%dma_wait3A_14 : memref<632x128xf32, #tpu.memory_space<hbm>>) dst(%dma_wait3A_12 : memref<632x128xf32, #tpu.memory_space<vmem_shared>>)
      tpu.yield
    }) : () -> ()
    %barrier3A = arith.constant 0 : index
    tpu.barrier barrier_id(%barrier3A)
    %scan3A = arith.constant 0 : i32
    %scan3A_3 = arith.constant 0 : i32
    %scan3A_4 = arith.constant 79 : i32
    %scan3A_5 = arith.addi %scan3A_3, %scan3A_4 : i32
    %scan3A_6 = arith.constant 1 : i32
    scf.for %scan3A_9 = %scan3A_3 to %scan3A_5 step %scan3A_6  : i32 {
      %dma_start3A = arith.constant 0 : i32
      %dma_start3A_10 = tpu.memref_slice %arg7[%scan3A_9, %dma_start3A] : memref<79x128xi32, #tpu.memory_space<vmem>> -> memref<1x128xi32, #tpu.memory_space<vmem>>
      %dma_start3A_11 = tpu.memref_squeeze %dma_start3A_10 : memref<1x128xi32, #tpu.memory_space<vmem>> -> memref<128xi32, #tpu.memory_space<vmem>>
      %dma_start3A_12 = arith.constant 0 : i32
      %dma_start3A_13 = arith.constant 0 : i32
      %dma_start3A_14 = tpu.memref_slice %arg2[%dma_start3A_12, %dma_start3A_13] : memref<10000x128xf32, #tpu.memory_space<hbm>> -> memref<10000x128xf32, #tpu.memory_space<hbm>>
      tpu.enqueue_indirect_dma source(%dma_start3A_14 : memref<10000x128xf32, #tpu.memory_space<hbm>>) target(%arg9 : memref<128x128xf32, #tpu.memory_space<vmem>>) offsets(%dma_start3A_11 : memref<128xi32, #tpu.memory_space<vmem>>) semaphore(%arg11 : memref<!tpu.dma_semaphore, #tpu.memory_space<semaphore_mem>>)
      %dma_wait3A = arith.constant 0 : i32
      %dma_wait3A_15 = tpu.memref_slice %arg7[%scan3A_9, %dma_wait3A] : memref<79x128xi32, #tpu.memory_space<vmem>> -> memref<1x128xi32, #tpu.memory_space<vmem>>
      %dma_wait3A_16 = tpu.memref_squeeze %dma_wait3A_15 : memref<1x128xi32, #tpu.memory_space<vmem>> -> memref<128xi32, #tpu.memory_space<vmem>>
      %dma_wait3A_17 = arith.constant 0 : i32
      %dma_wait3A_18 = arith.constant 0 : i32
      %dma_wait3A_19 = tpu.memref_slice %arg2[%dma_wait3A_17, %dma_wait3A_18] : memref<10000x128xf32, #tpu.memory_space<hbm>> -> memref<10000x128xf32, #tpu.memory_space<hbm>>
      tpu.wait_indirect_dma semaphore(%arg11 : memref<!tpu.dma_semaphore, #tpu.memory_space<semaphore_mem>>) src(%dma_wait3A_19 : memref<10000x128xf32, #tpu.memory_space<hbm>>) dst(%arg9 : memref<128x128xf32, #tpu.memory_space<vmem>>)
      "tpu.region"() ({
        %run_scoped3A = tpu.sem_alloc : memref<!tpu.dma_semaphore, #tpu.memory_space<semaphore_mem>>
        %dma_start3A_20 = arith.constant 0 : i32
        %dma_start3A_21 = tpu.memref_slice %arg8[%scan3A_9, %dma_start3A_20] : memref<79x128xi32, #tpu.memory_space<vmem>> -> memref<1x128xi32, #tpu.memory_space<vmem>>
        %dma_start3A_22 = tpu.memref_squeeze %dma_start3A_21 : memref<1x128xi32, #tpu.memory_space<vmem>> -> memref<128xi32, #tpu.memory_space<vmem>>
        %dma_start3A_23 = arith.constant 0 : i32
        %dma_start3A_24 = arith.constant 0 : i32
        %dma_start3A_25 = tpu.memref_slice %arg10[%dma_start3A_23, %dma_start3A_24] : memref<10112x128xf32, #tpu.memory_space<vmem_shared>> -> memref<10112x128xf32, #tpu.memory_space<vmem_shared>>
        tpu.enqueue_indirect_dma source(%arg9 : memref<128x128xf32, #tpu.memory_space<vmem>>) target(%dma_start3A_25 : memref<10112x128xf32, #tpu.memory_space<vmem_shared>>) offsets(%dma_start3A_22 : memref<128xi32, #tpu.memory_space<vmem>>) semaphore(%run_scoped3A : memref<!tpu.dma_semaphore, #tpu.memory_space<semaphore_mem>>) {add = true}
        %dma_wait3A_26 = arith.constant 0 : i32
        %dma_wait3A_27 = tpu.memref_slice %arg8[%scan3A_9, %dma_wait3A_26] : memref<79x128xi32, #tpu.memory_space<vmem>> -> memref<1x128xi32, #tpu.memory_space<vmem>>
        %dma_wait3A_28 = tpu.memref_squeeze %dma_wait3A_27 : memref<1x128xi32, #tpu.memory_space<vmem>> -> memref<128xi32, #tpu.memory_space<vmem>>
        %dma_wait3A_29 = arith.constant 0 : i32
        %dma_wait3A_30 = arith.constant 0 : i32
        %dma_wait3A_31 = tpu.memref_slice %arg10[%dma_wait3A_29, %dma_wait3A_30] : memref<10112x128xf32, #tpu.memory_space<vmem_shared>> -> memref<10112x128xf32, #tpu.memory_space<vmem_shared>>
        tpu.wait_indirect_dma semaphore(%run_scoped3A : memref<!tpu.dma_semaphore, #tpu.memory_space<semaphore_mem>>) src(%arg9 : memref<128x128xf32, #tpu.memory_space<vmem>>) dst(%dma_wait3A_31 : memref<10112x128xf32, #tpu.memory_space<vmem_shared>>)
        tpu.yield
      }) : () -> ()
    }
    %scan3A_7 = arith.constant 79 : i32
    %barrier3A_8 = arith.constant 0 : index
    tpu.barrier barrier_id(%barrier3A_8)
    "tpu.region"() ({
      %run_scoped3A = tpu.sem_alloc : memref<!tpu.dma_semaphore, #tpu.memory_space<semaphore_mem>>
      %dma_start3A = arith.constant 0 : i32
      %dma_start3A_9 = tpu.memref_slice %arg6[%arg0, %mul3A_2, %dma_start3A] : memref<2x10112x128xf32, #tpu.memory_space<hbm>> -> memref<1x632x128xf32, #tpu.memory_space<hbm>>
      %dma_start3A_10 = tpu.memref_squeeze %dma_start3A_9 : memref<1x632x128xf32, #tpu.memory_space<hbm>> -> memref<632x128xf32, #tpu.memory_space<hbm>>
      %dma_start3A_11 = arith.constant 0 : i32
      %dma_start3A_12 = tpu.memref_slice %arg10[%mul3A_2, %dma_start3A_11] : memref<10112x128xf32, #tpu.memory_space<vmem_shared>> -> memref<632x128xf32, #tpu.memory_space<vmem_shared>>
      tpu.enqueue_dma source(%dma_start3A_12 : memref<632x128xf32, #tpu.memory_space<vmem_shared>>) target(%dma_start3A_10 : memref<632x128xf32, #tpu.memory_space<hbm>>) target_semaphore(%run_scoped3A : memref<!tpu.dma_semaphore, #tpu.memory_space<semaphore_mem>>)
      %dma_wait3A = arith.constant 0 : i32
      %dma_wait3A_13 = tpu.memref_slice %arg6[%arg0, %mul3A_2, %dma_wait3A] : memref<2x10112x128xf32, #tpu.memory_space<hbm>> -> memref<1x632x128xf32, #tpu.memory_space<hbm>>
      %dma_wait3A_14 = tpu.memref_squeeze %dma_wait3A_13 : memref<1x632x128xf32, #tpu.memory_space<hbm>> -> memref<632x128xf32, #tpu.memory_space<hbm>>
      %dma_wait3A_15 = arith.constant 0 : i32
      %dma_wait3A_16 = tpu.memref_slice %arg10[%mul3A_2, %dma_wait3A_15] : memref<10112x128xf32, #tpu.memory_space<vmem_shared>> -> memref<632x128xf32, #tpu.memory_space<vmem_shared>>
      tpu.wait_dma2 semaphore(%run_scoped3A : memref<!tpu.dma_semaphore, #tpu.memory_space<semaphore_mem>>) src(%dma_wait3A_16 : memref<632x128xf32, #tpu.memory_space<vmem_shared>>) dst(%dma_wait3A_14 : memref<632x128xf32, #tpu.memory_space<hbm>>)
      tpu.yield
    }) : () -> ()
    return
  }
}

module attributes {stable_mosaic.version = 14 : i64} {
  func.func @body(%arg0: memref<10000x128xf32, #tpu.memory_space<vmem>>, %arg1: memref<2x10112x128xf32, #tpu.memory_space<vmem>>, %arg2: memref<128x128xf32, #tpu.memory_space<vmem>>, %arg3: memref<128xf32, #tpu.memory_space<vmem>>, %arg4: memref<128x128xf32, #tpu.memory_space<vmem>>, %arg5: memref<128xf32, #tpu.memory_space<vmem>>, %arg6: memref<128xf32, #tpu.memory_space<vmem>>, %arg7: memref<128xf32, #tpu.memory_space<vmem>>, %arg8: memref<1x10000xi32, #tpu.memory_space<vmem>>, %arg9: memref<10000x128xf32, #tpu.memory_space<vmem>>, %arg10: memref<64x128xf32, #tpu.memory_space<vmem>>) attributes {dimension_semantics = [], scalar_prefetch = 0 : i64, scratch_operands = 0 : i64, tpu.core_type = #tpu.core_type<tc>} {
    %get3A = arith.constant 0 : index
    %get3A_0 = arith.constant 0 : index
    %get3A_1 = arith.constant 0 : index
    %get3A_2 = vector.load %arg1[%get3A, %get3A_0, %get3A_1] : memref<2x10112x128xf32, #tpu.memory_space<vmem>>, vector<1x10112x128xf32>
    %get3A_3 = vector.shape_cast %get3A_2 : vector<1x10112x128xf32> to vector<10112x128xf32>
    %get3A_4 = arith.constant 1 : index
    %get3A_5 = arith.constant 0 : index
    %get3A_6 = arith.constant 0 : index
    %get3A_7 = vector.load %arg1[%get3A_4, %get3A_5, %get3A_6] : memref<2x10112x128xf32, #tpu.memory_space<vmem>>, vector<1x10112x128xf32>
    %get3A_8 = vector.shape_cast %get3A_7 : vector<1x10112x128xf32> to vector<10112x128xf32>
    %add3A = arith.addf %get3A_3, %get3A_8 : vector<10112x128xf32>
    %get3A_9 = arith.constant 0 : index
    %get3A_10 = arith.constant 0 : index
    %get3A_11 = vector.load %arg0[%get3A_9, %get3A_10] : memref<10000x128xf32, #tpu.memory_space<vmem>>, vector<10000x128xf32>
    %slice3A = vector.extract_strided_slice %add3A {offsets = [0, 0], sizes = [10000, 128], strides = [1, 1]} : vector<10112x128xf32> to vector<10000x128xf32>
    %add3A_12 = arith.addf %get3A_11, %slice3A : vector<10000x128xf32>
    %get3A_13 = arith.constant 0 : index
    %get3A_14 = arith.constant 0 : index
    %get3A_15 = vector.load %arg2[%get3A_13, %get3A_14] : memref<128x128xf32, #tpu.memory_space<vmem>>, vector<128x128xf32>
    %dot_general3A = arith.constant dense<0.000000e+00> : vector<10000x128xf32>
    %dot_general3A_16 = tpu.matmul %add3A_12, %get3A_15, %dot_general3A {dimension_numbers = #tpu.dot_dimension_numbers<[1], [0], [0], [1], [0, 0, 1, 1], [], []>, transpose_lhs_hint = false} : vector<10000x128xf32>, vector<128x128xf32>, vector<10000x128xf32> -> vector<10000x128xf32>
    %get3A_17 = arith.constant 0 : index
    %get3A_18 = vector.load %arg3[%get3A_17] : memref<128xf32, #tpu.memory_space<vmem>>, vector<128xf32>
    %broadcast_in_dim3A = vector.shape_cast %get3A_18 : vector<128xf32> to vector<1x128xf32>
    %add3A_19 = vector.broadcast %broadcast_in_dim3A : vector<1x128xf32> to vector<10000x128xf32>
    %add3A_20 = arith.addf %dot_general3A_16, %add3A_19 : vector<10000x128xf32>
    %max3A = arith.constant 0.000000e+00 : f32
    %max3A_21 = vector.broadcast %max3A : f32 to vector<10000x128xf32>
    %max3A_22 = arith.maximumf %add3A_20, %max3A_21 : vector<10000x128xf32>
    %get3A_23 = arith.constant 0 : index
    %get3A_24 = arith.constant 0 : index
    %get3A_25 = vector.load %arg4[%get3A_23, %get3A_24] : memref<128x128xf32, #tpu.memory_space<vmem>>, vector<128x128xf32>
    %dot_general3A_26 = arith.constant dense<0.000000e+00> : vector<10000x128xf32>
    %dot_general3A_27 = tpu.matmul %max3A_22, %get3A_25, %dot_general3A_26 {dimension_numbers = #tpu.dot_dimension_numbers<[1], [0], [0], [1], [0, 0, 1, 1], [], []>, transpose_lhs_hint = false} : vector<10000x128xf32>, vector<128x128xf32>, vector<10000x128xf32> -> vector<10000x128xf32>
    %get3A_28 = arith.constant 0 : index
    %get3A_29 = vector.load %arg5[%get3A_28] : memref<128xf32, #tpu.memory_space<vmem>>, vector<128xf32>
    %broadcast_in_dim3A_30 = vector.shape_cast %get3A_29 : vector<128xf32> to vector<1x128xf32>
    %add3A_31 = vector.broadcast %broadcast_in_dim3A_30 : vector<1x128xf32> to vector<10000x128xf32>
    %add3A_32 = arith.addf %dot_general3A_27, %add3A_31 : vector<10000x128xf32>
    %max3A_33 = arith.constant 0.000000e+00 : f32
    %max3A_34 = vector.broadcast %max3A_33 : f32 to vector<10000x128xf32>
    %max3A_35 = arith.maximumf %add3A_32, %max3A_34 : vector<10000x128xf32>
    %reduce_sum3A = arith.constant dense<0.000000e+00> : vector<128xf32>
    %reduce_sum3A_36 = vector.multi_reduction <add>, %max3A_35, %reduce_sum3A [0] : vector<10000x128xf32> to vector<128xf32>
    %div3A = arith.constant 1.000000e+04 : f32
    %div3A_37 = vector.broadcast %div3A : f32 to vector<128xf32>
    %div3A_38 = arith.divf %reduce_sum3A_36, %div3A_37 : vector<128xf32>
    %broadcast_in_dim3A_39 = vector.shape_cast %div3A_38 : vector<128xf32> to vector<1x128xf32>
    %sub3A = vector.broadcast %broadcast_in_dim3A_39 : vector<1x128xf32> to vector<10000x128xf32>
    %sub3A_40 = arith.subf %max3A_35, %sub3A : vector<10000x128xf32>
    %mul3A = arith.mulf %sub3A_40, %sub3A_40 : vector<10000x128xf32>
    %reduce_sum3A_41 = arith.constant dense<0.000000e+00> : vector<128xf32>
    %reduce_sum3A_42 = vector.multi_reduction <add>, %mul3A, %reduce_sum3A_41 [0] : vector<10000x128xf32> to vector<128xf32>
    %div3A_43 = arith.constant 1.000000e+04 : f32
    %div3A_44 = vector.broadcast %div3A_43 : f32 to vector<128xf32>
    %div3A_45 = arith.divf %reduce_sum3A_42, %div3A_44 : vector<128xf32>
    %add3A_46 = arith.constant 9.99999974E-6 : f32
    %add3A_47 = vector.broadcast %add3A_46 : f32 to vector<128xf32>
    %add3A_48 = arith.addf %div3A_45, %add3A_47 : vector<128xf32>
    %rsqrt3A = math.rsqrt %add3A_48 : vector<128xf32>
    %get3A_49 = arith.constant 0 : index
    %get3A_50 = vector.load %arg6[%get3A_49] : memref<128xf32, #tpu.memory_space<vmem>>, vector<128xf32>
    %mul3A_51 = arith.mulf %rsqrt3A, %get3A_50 : vector<128xf32>
    %broadcast_in_dim3A_52 = vector.shape_cast %mul3A_51 : vector<128xf32> to vector<1x128xf32>
    %mul3A_53 = vector.broadcast %broadcast_in_dim3A_52 : vector<1x128xf32> to vector<10000x128xf32>
    %mul3A_54 = arith.mulf %sub3A_40, %mul3A_53 : vector<10000x128xf32>
    %get3A_55 = arith.constant 0 : index
    %get3A_56 = vector.load %arg7[%get3A_55] : memref<128xf32, #tpu.memory_space<vmem>>, vector<128xf32>
    %broadcast_in_dim3A_57 = vector.shape_cast %get3A_56 : vector<128xf32> to vector<1x128xf32>
    %add3A_58 = vector.broadcast %broadcast_in_dim3A_57 : vector<1x128xf32> to vector<10000x128xf32>
    %add3A_59 = arith.addf %mul3A_54, %add3A_58 : vector<10000x128xf32>
    %swap3A = arith.constant 0 : index
    %swap3A_60 = arith.constant 0 : index
    %swap3A_61 = vector.load %arg9[%swap3A, %swap3A_60] : memref<10000x128xf32, #tpu.memory_space<vmem>>, vector<10000x128xf32>
    tpu.vector_store %arg9[%swap3A, %swap3A_60], %add3A_59 {strides = array<i32>} : memref<10000x128xf32, #tpu.memory_space<vmem>>, vector<10000x128xf32>,
    %get3A_62 = arith.constant 0 : index
    %get3A_63 = arith.constant 0 : index
    %get3A_64 = vector.load %arg8[%get3A_62, %get3A_63] : memref<1x10000xi32, #tpu.memory_space<vmem>>, vector<1x10000xi32>
    %iota3A = tpu.iota {dimensions = array<i32: 0>} : vector<64x10000xi32>
    %eq3A = vector.broadcast %get3A_64 : vector<1x10000xi32> to vector<64x10000xi32>
    %eq3A_65 = arith.cmpi eq, %eq3A, %iota3A : vector<64x10000xi32>
    %convert_element_type3A = arith.extui %eq3A_65 : vector<64x10000xi1> to vector<64x10000xi32>
    %convert_element_type3A_66 = arith.sitofp %convert_element_type3A : vector<64x10000xi32> to vector<64x10000xf32>
    %dot_general3A_67 = arith.constant dense<0.000000e+00> : vector<64x128xf32>
    %dot_general3A_68 = tpu.matmul %convert_element_type3A_66, %add3A_59, %dot_general3A_67 {dimension_numbers = #tpu.dot_dimension_numbers<[1], [0], [0], [1], [0, 0, 1, 1], [], []>, transpose_lhs_hint = false} : vector<64x10000xf32>, vector<10000x128xf32>, vector<64x128xf32> -> vector<64x128xf32>
    %swap3A_69 = arith.constant 0 : index
    %swap3A_70 = arith.constant 0 : index
    %swap3A_71 = vector.load %arg10[%swap3A_69, %swap3A_70] : memref<64x128xf32, #tpu.memory_space<vmem>>, vector<64x128xf32>
    tpu.vector_store %arg10[%swap3A_69, %swap3A_70], %dot_general3A_68 {strides = array<i32>} : memref<64x128xf32, #tpu.memory_space<vmem>>, vector<64x128xf32>,
    return
  }
}

</mosaic_0001>

<sc_bundles>
// kernel: kernel.11.cloned.1.call-start
scs
__scs_entry_jumppad:
0x0: {  	(pc) =	sbr.rel $0x88, $3  }
0x1: {  	(tag) =	ssettag $0x0;
	lr =	simm.s32 $0x1  }
0x2: {  	[smem:$0x3F8C] =	sst lr;
	_ =	strace $0xD0000000  }
0x3: {  	_ = 	snop  }
0x4: {  	_ = 	snop  }
0x5: {  	_ = 	snop  }
0x6: {  	_ = 	snop  }
0x7: {  	_ = 	snop  }
__scs_overlays_trampoline_lowered:
0x8: {  	[smem:$0x3F9B] =	sst s0  }
0x9: {  	[smem:$0x3F9C] =	sst s1  }
0xa: {  	[smem:$0x3F9D] =	sst s2  }
0xb: {  	[smem:$0x3F9E] =	sst s3  }
0xc: {  	[smem:$0x3F9F] =	sst s4  }
0xd: {  	[smem:$0x3FA0] =	sst s5  }
0xe: {  	[smem:$0x3FA1] =	sst s6  }
0xf: {  	[smem:$0x3FA2] =	sst s7  }
0x10: {  	[smem:$0x3FA3] =	sst s8  }
0x11: {  	[smem:$0x3FA4] =	sst s9;
	s0 =	simm.s32 @!p0 $0x0  }
0x12: {  	s1 =	sld [smem:$0x3F8A];
	s0 =	simm.s32 @p0 $0x1  }
0x13: {  	[smem:$0x3FA5] =	sst s0;
	s0 =	simm.s32 @!p1 $0x0  }
0x14: {  	s2 =	sld [smem:$0x3F89];
	s0 =	simm.s32 @p1 $0x1  }
0x15: {  	[smem:$0x3FA6] =	sst s0;
	s0 =	simm.s32 @!p2 $0x0  }
0x16: {  	s3 =	sld [smem:$0x3FDB];
	s0 =	simm.s32 @p2 $0x1  }
0x17: {  	s4 =	simm.s32 $0x1BF5;
	[smem:$0x3FA8] =	sst s0  }
0x18: {  	s0 =	sld [smem:$0x3F8B];
	_ =	swait.ge [sflag:s4], $0x0  }
0x19: {  	s7 =	sld [smem:$0x3F8C]  }
0x1a: {  	s8 =	sadd.s32 $0xFFFFE003, lr  }
0x1b: {  	s9 =	sadd.s32 $0xFFFFFEF7, lr;
	s5 =	simm.s32 $0xFFFFFFFF;
	p2 =	slt.u32 s8, $0xFFFFF086  }
0x1c: {  	p1 =	slt.u32 s9, $0xF7A;
	s5 =	simm.s32 @!p2 $0x0  }
0x1d: {  	s5 =	simm.s32 @p1 $0x1;
	p0 =	seq.s32 s7, s2  }
0x1e: {  	s7 =	smul.u32 @!p0 $0xF7A, s2;
	p2 =	seq.s32 @!p0 s5, $0x0  }
0x1f: {  	s9 =	smul.u32 $0xF7A, s1;
	s8 =	simm.s32 @!p0 $0x1BF5;
	p2 =	por !p2, p0  }
0x20: {  	[sflag:s8] =	ssyncset.s32 @!p0 $0xFFFFF086;
	s6 =	sadd.s32 @!p0 s3, s7;
	s7 =	simm.s32 @!p0 $0x108  }
0x21: {  	s3 =	sadd.s32 s3, s9;
	s6 =	sadd.s32 @!p0 $0x88, s6;
	s7 =	simm.s32 @p2 $0x1082  }
0x22: {  	[simem:s7], [sflag:s8] =	dma.local @!p0 [hbm:s6], $0xF7A  }
0x23: {  	s9 =	sor.u32 $0xD0000000, s2;
	s6 =	simm.s32 $0x108;
	_ =	swait.ge @!p0 [sflag:s8], $0x0  }
0x24: {  	s3 =	sadd.s32 $0x88, s3;
	s6 =	simm.s32 @!p1 $0x1082;
	[sflag:s4] =	ssyncset.s32 $0xFFFFF086  }
0x25: {  	[simem:s6], [sflag:s4] =	dma.local [hbm:s3], $0xF7A  }
0x26: {  	[smem:$0x3F8C] =	sst s1;
	(tag) =	ssettag s2;
	_ =	strace s9  }
0x27: {  	s1 =	sld [smem:$0x3F9C]  }
0x28: {  	s2 =	sld [smem:$0x3F9D]  }
0x29: {  	s4 =	sld [smem:$0x3F9F]  }
0x2a: {  	p0 =	seq.s32 s5, $0x0;
	s5 =	sld [smem:$0x3FA0]  }
0x2b: {  	s6 =	sld [smem:$0x3FA1]  }
0x2c: {  	s7 =	sld [smem:$0x3FA2]  }
0x2d: {  	s3 =	simm.s32 $0x108;
	s8 =	sld [smem:$0x3FA3]  }
0x2e: {  	s3 =	simm.s32 @!p0 $0x1082;
	s9 =	sld [smem:$0x3FA4]  }
0x2f: {  	lr =	sadd.s32 s0, s3;
	s0 =	sld [smem:$0x3F9B]  }
0x30: {  	s3 =	sld [smem:$0x3F9E]  }
0x31: {  	[smem:$0x3FA7] =	sst s10  }
0x32: {  	s10 =	sld [smem:$0x3FA5];
	_ =	sdelay $0x3  }
0x33: {  	p0 =	seq.s32 s10, $0x1;
	s10 =	sld [smem:$0x3FA7];
	_ =	sdelay $0x3  }
0x34: {  	[smem:$0x3FA7] =	sst s10  }
0x35: {  	s10 =	sld [smem:$0x3FA6];
	_ =	sdelay $0x3  }
0x36: {  	p1 =	seq.s32 s10, $0x1;
	s10 =	sld [smem:$0x3FA7];
	_ =	sdelay $0x3  }
0x37: {  	[smem:$0x3FA7] =	sst s10  }
0x38: {  	s10 =	sld [smem:$0x3FA8]  }
0x39: {  	_ = 	snop;
	(pc) =	sbr.ind lr, $3  }
0x3a: {  	_ = 	snop  }
0x3b: {  	_ = 	snop  }
0x3c: {  	p2 =	seq.s32 s10, $0x1;
	s10 =	sld [smem:$0x3FA7]  }
0x3d: {  	_ =	shalt  }
0x3e: {  	_ =	shalt  }
0x3f: {  	_ =	shalt  }
0x40: {  	_ =	shalt  }
0x41: {  	_ =	shalt  }
0x42: {  	_ =	shalt  }
0x43: {  	_ =	shalt  }
0x44: {  	_ =	shalt  }
0x45: {  	_ =	shalt  }
0x46: {  	_ =	shalt  }
0x47: {  	_ =	shalt  }
0x48: {  	_ =	shalt  }
0x49: {  	_ =	shalt  }
0x4a: {  	_ =	shalt  }
0x4b: {  	_ =	shalt  }
0x4c: {  	_ =	shalt  }
0x4d: {  	_ =	shalt  }
0x4e: {  	_ =	shalt  }
0x4f: {  	_ =	shalt  }
0x50: {  	_ =	shalt  }
0x51: {  	_ =	shalt  }
0x52: {  	_ =	shalt  }
0x53: {  	_ =	shalt  }
0x54: {  	_ =	shalt  }
0x55: {  	_ =	shalt  }
0x56: {  	_ =	shalt  }
0x57: {  	_ =	shalt  }
0x58: {  	_ =	shalt  }
0x59: {  	_ =	shalt  }
0x5a: {  	_ =	shalt  }
0x5b: {  	_ =	shalt  }
0x5c: {  	_ =	shalt  }
0x5d: {  	_ =	shalt  }
0x5e: {  	_ =	shalt  }
0x5f: {  	_ =	shalt  }
0x60: {  	_ =	shalt  }
0x61: {  	_ =	shalt  }
0x62: {  	_ =	shalt  }
0x63: {  	_ =	shalt  }
0x64: {  	_ =	shalt  }
0x65: {  	_ =	shalt  }
0x66: {  	_ =	shalt  }
0x67: {  	_ =	shalt  }
0x68: {  	_ =	shalt  }
0x69: {  	_ =	shalt  }
0x6a: {  	_ =	shalt  }
0x6b: {  	_ =	shalt  }
0x6c: {  	_ =	shalt  }
0x6d: {  	_ =	shalt  }
0x6e: {  	_ =	shalt  }
0x6f: {  	_ =	shalt  }
0x70: {  	_ =	shalt  }
0x71: {  	_ =	shalt  }
0x72: {  	_ =	shalt  }
0x73: {  	_ =	shalt  }
0x74: {  	_ =	shalt  }
0x75: {  	_ =	shalt  }
0x76: {  	_ =	shalt  }
0x77: {  	_ =	shalt  }
0x78: {  	_ =	shalt  }
0x79: {  	_ =	shalt  }
0x7a: {  	_ =	shalt  }
0x7b: {  	_ =	shalt  }
0x7c: {  	_ =	shalt  }
0x7d: {  	_ =	shalt  }
0x7e: {  	_ =	shalt  }
0x7f: {  	_ =	shalt  }
0x80: {  	_ =	shalt  }
0x81: {  	_ =	shalt  }
0x82: {  	_ =	shalt  }
0x83: {  	_ =	shalt  }
0x84: {  	_ =	shalt  }
0x85: {  	_ =	shalt  }
0x86: {  	_ =	shalt  }
0x87: {  	_ =	shalt  }
.Lfunc_end0:
.L_simem_size_0:
called_computation.1_lowered:
.L_overlay_start_0:
0x88: {  	s2 =	sld [smem:$0x3FD9]  }
0x89: {  	s3 =	sld [smem:$0x3FFE];
	_ =	sdelay $0x1  }
0x8a: {  	s1 =	srdreg.scid  }
0x8b: {  	s0 =	sand.u32 $0x1, s1  }
0x8c: {  	s14 =	sshll.u32 s0, $0xA;
	s2 =	sadd.s32 s3, s2  }
0x8d: {  	s2 =	sadd.s32 s2, s14  }
0x8e: {  	[smem:$0x3FB3] =	sst s2  }
0x8f: {  	_ = 	snop  }
0x90: {  	s2 =	sld [smem:$0x3FD0];
	_ =	sdelay $0x2  }
0x91: {  	s15 =	simm.s32 $0xA;
	s4 =	simm.s32 $0x10  }
0x92: {  	[smem:s4], [sflag:s15] =	dma.local [hbm:s2], $0x1  }
0x93: {  	_ =	swait.eq [sflag:s15], $0x1  }
0x94: {  	[sflag:s15] =	ssyncset.done $0x0  }
0x95: {  	[sflag:s15] =	ssyncadd.s32 $0xFFFFFFFF  }
0x96: {  	s16 =	sld [smem:$0x10];
	(tm) =	ssettm $0x1  }
0x97: {  	s17 =	sld [smem:$0x3FFB];
	_ =	sdelay $0x3  }
0x98: {  	_ =	strace s17  }
0x99: {  	s3 =	sld [smem:$0x3FFC];
	_ =	sdelay $0x3  }
0x9a: {  	_ =	strace s3  }
0x9b: {  	s3 =	sld [smem:$0x3FFD];
	_ =	sdelay $0x3  }
0x9c: {  	_ =	strace s3  }
0x9d: {  	_ =	strace $0x8FFFFFFF  }
0x9e: {  	s18 =	sld [smem:$0x3FDB];
	_ =	sdelay $0x1  }
0x9f: {  	s19 =	simm.s32 $_scs_section_size  }
0xa0: {  	s5 =	simm.s32 $_size__tile_overlayer_lowered;
	s6 =	simm.s32 $_tile_overlayer_lowered  }
0xa1: {  	s22 =	simm.s32 $0x1BFF;
	s21 =	sshll.u32 s6, $0x1;
	s3 =	sadd.s32 s19, s18  }
0xa2: {  	s7 =	simm.s32 $0x0;
	s20 =	sshll.u32 s5, $0x1;
	s5 =	sadd.s32 s21, s3  }
0xa3: {  	[timem:s7], [sflag:s22] =	dma.local [hbm:s5], s20  }
0xa4: {  	_ =	swait.ge [sflag:s22], s20  }
0xa5: {  	s4 =	ssub.s32 $0x0, s20;
	[sflag:s22] =	ssyncset.done $0x0  }
0xa6: {  	[sflag:s22] =	ssyncadd.s32 s4;
	_ =	sdelay $0x1  }
0xa7: {  	s23 =	simm.s32 $0x1B8B  }
0xa8: {  	_ =	swait.ge [sflag:s23], $0x1  }
0xa9: {  	[sflag:s23] =	ssyncset.done $0x0  }
0xaa: {  	s25 =	simm.s32 $0x1B8E;
	s24 =	sld [smem:$0x3FFE];
	[sflag:s23] =	ssyncadd.s32 $0xFFFFFFFF  }
0xab: {  	s26 =	simm.s32 $execute0_lowered;
	[smem:$0x3FD2] =	sst s25  }
0xac: {  	s5 =	sshll.u32 s26, $0x1;
	_ =	strace $0x80000049;
	[dreg:$0x1] =	wrdreg $0xFFFFFFFF  }
0xad: {  	s28 =	simm.s32 $_size_execute0_lowered;
	s3 =	sadd.s32 s3, s5;
	[dreg:$0x0] =	wrdreg $0x0  }
0xae: {  	s5 =	sshll.u32 s28, $0x1;
	[dreg:$0x2] =	wrdreg s3  }
0xaf: {  	[dreg:$0x3] =	wrdreg s5  }
0xb0: {  	[dreg:$0x4] =	wrdreg $0xC0  }
0xb1: {  	_ =	task [dreg:s7], $0x5FFFF  }
0xb2: {  	[dreg:$0x1] =	wrdreg $0xFFFFFFFF  }
0xb3: {  	[dreg:$0x0] =	wrdreg $0x60  }
0xb4: {  	[dreg:$0x2] =	wrdreg s24  }
0xb5: {  	[dreg:$0x3] =	wrdreg s16  }
0xb6: {  	[dreg:$0x4] =	wrdreg $0x90000  }
0xb7: {  	[dreg:$0x5] =	wrdreg $0x9  }
0xb8: {  	_ =	task.clear_ibuf [dreg:s7], $0x6FFFF;
	_ =	strace $0x90000049  }
0xb9: {  	s29 =	simm.s32 $0x9;
	_ =	strace $0x8000004B  }
0xba: {  	_ =	swait.ge [sflag:s29], $0x1  }
0xbb: {  	[sflag:s29] =	ssyncadd.s32 $0xFFFFFFFF  }
0xbc: {  	_ =	strace $0x9000004B  }
0xbd: {  	_ =	sfence  }
0xbe: {  	s30 =	sld [smem:$0x0];
	_ =	sdelay $0x2  }
0xbf: {  	s31 =	sshll.u32 s1, $0xD;
	s1 =	sshrl.u32 s1, $0x2  }
0xc0: {  	s3 =	sand.u32 $0x4000, s31;
	s1 =	sadd.s32 s1, s30  }
0xc1: {  	s0 =	sor.u32 s3, s0;
	s1 =	sshll.u32 s1, $0x11  }
0xc2: {  	s0 =	sor.u32 s1, s0  }
0xc3: {  	s0 =	sadd.s32 $0x8F2B, s0  }
0xc4: {  	[sflag:s0] =	ssyncadd.remote.s32 $0x1  }
0xc5: {  	_ =	sfence.sel $0xFFFF  }
0xc6: {  	[dreg:$0x0] =	wrdreg $0xFFFFFFFF;
	(pc) =	sbr.abs _section_cstart, $3  }
0xc7: {  	[dreg:$0x1] =	wrdreg $0xFFFFFFFF  }
0xc8: {  	_ =	task.clear_ibuf [dreg:s7], $0x2FFFF;
	_ =	strace $0x9FFFFFFF  }
0xc9: {  	(tm) =	ssettm $0x7FFFFFFF  }
tec
execute0_lowered:
.L_overlay_start_1:
0x0: {  	(tag) =	ssettag $0x1  }
0x1: {  	s5 =	rddreg [dreg:$0x0]  }
0x2: {  	s0 =	srdreg.scid;
	s8 =	rddreg [dreg:$0x1]  }
0x3: {  	s2 =	rddreg [dreg:$0x2];
	s1 =	stileid.u32  }
0x4: {  	s3 =	simm.s32 $0x0;
	s14 =	simm.s32 $0x80;
	s15 =	simm.s32 $0x5000  }
0x5: {  	s16 =	simm.s32 $0x1;
	s6 =	sand.u32 $0x1, s0;
	s0 =	rddreg [dreg:$0x3]  }
0x6: {  	s17 =	simm.s32 $0x0;
	[smem:$0x7FF] =	sst s3;
	s9 =	smul.u32 $0x13C00, s1  }
0x7: {  	s11 =	smul.u32 $0x4F000, s1;
	s31 =	sshll.u32 s1, $0x6;
	s4 =	sshll.u32 s6, $0x4  }
0x8: {  	_ =	strace $0x8000004A;
	s10 =	ssub.s32 $0x2, s6;
	s6 =	smul.u32 $0x13C000, s6  }
0x9: {  	s4 =	sor.u32 s1, s4;
	s12 =	sshrl.u32 s9, $0x3;
	s13 =	sshrl.u32 s10, $0x1  }
0xa: {  	s11 =	sshrl.u32 s11, $0x2;
	s7 =	smul.u32 $0x500, s4;
	s4 =	sadd.s32 $0x3FE00, s5  }
0xb: {  	s12 =	sadd.s32 s12, s5;
	s10 =	ssub.s32 s10, s13;
	s9 =	sadd.s32 s9, s6  }
0xc: {  	s30 =	sadd.s32 s11, s2;
	s11 =	simm.s32 $0x2800;
	s9 =	sshrl.u32 s9, $0x3  }
0xd: {  	s13 =	sshrl.u32 s30, $0x3;
	s7 =	sadd.s32 s7, s5;
	s8 =	sadd.s32 s8, s9  }
0xe: {  	s9 =	smax.u32 s10, $0x1;
	s10 =	simm.s32 $0x2;
	s5 =	sadd.s32 $0xE600, s7  }
0xf: {  	s6 =	sadd.s32 $0x4600, s7;
	s7 =	sadd.s32 $0x18600, s12;
	s12 =	sor.u32 $0x1C02, s31  }
.LBB2_1:
0x10: {  	[tilespmem:s3], [sflag:$0x2] =	stream.linear.gather [hbm4b:s5+s3], $0x2780, $0x38;
	[tilespmem:$0x1CC00] =	vst v63  }
0x11: {  	_ =	swait.ge [sflag:s10], $0x2780  }
0x12: {  	[sflag:s10] =	ssyncset.done $0x0  }
0x13: {  	[sflag:s10] =	ssyncadd.s32 $0xFFFFD880  }
0x14: {  	[tilespmem:s11], [sflag:$0x2] =	stream.linear.gather [hbm4b:s6+s3], $0x2780, $0x38;
	[tilespmem:$0x1CC00] =	vst v63  }
0x15: {  	_ =	swait.ge [sflag:s10], $0x2780  }
0x16: {  	[sflag:s10] =	ssyncset.done $0x0  }
0x17: {  	[sflag:s10] =	ssyncadd.s32 $0xFFFFD880  }
0x18: {  	[spmem:s13], [sflag:s12] =	dma.local [hbm:s7], $0x2780  }
0x19: {  	_ =	swait.ge [sflag:s10], $0x2780  }
0x1a: {  	[sflag:s10] =	ssyncset.done $0x0  }
0x1b: {  	[sflag:s10] =	ssyncadd.s32 $0xFFFFD880  }
0x1c: {  	s18 =	simm.s32 $0x0;
	[bflag:$0x0] =	sbarrier.arrive $0xFFFF  }
0x1d: {  	[tilespmem:s15], [sflag:$0x1] =	stream.indirect.gather [hbm4b:s4+s14], $0x80, s18, s14, $0xb8;
	[tilespmem:$0x1CC00] =	vst v63  }
0x1e: {  	_ =	swait.ge [sflag:s16], $0x4000  }
0x1f: {  	[sflag:s16] =	ssyncset.done $0x0  }
0x20: {  	s31 =	simm.s32 $0x2800;
	[sflag:s16] =	ssyncadd.s32 $0xFFFFC000  }
0x21: {  	[spmem:s2] =	stream.indirect.scatter.add.f32 [tilespmem:s15], [sflag:$0x2], $0x80, s31, s14, $0xb8;
	[tilespmem:$0x1CC00] =	vst v63  }
0x22: {  	_ =	swait.ge [sflag:s10], $0x4000  }
0x23: {  	s19 =	simm.s32 $0x400;
	s18 =	simm.s32 $0x200;
	[sflag:s10] =	ssyncset.done $0x0  }
.LBB2_2:
0x24: {  	s20 =	sshra.s32 s18, $0x2  }
0x25: {  	[sflag:s10] =	ssyncadd.s32 $0xFFFFC000;
	s18 =	smov.u32 s19;
	s21 =	sadd.s32 $0x200, s19  }
0x26: {  	[tilespmem:s15], [sflag:$0x1] =	stream.indirect.gather [hbm4b:s4+s14], $0x80, s20, s14, $0xb8;
	[tilespmem:$0x1CC00] =	vst v63  }
0x27: {  	p0 =	sne.s32 s19, $0x9C00;
	_ =	swait.ge [sflag:s16], $0x4000  }
.Ltmp0:
0x28: {  	[sflag:s16] =	ssyncset.done $0x0;
	(pc) =	sbr.rel @p0 .LBB2_2-.Ltmp0, $4  }
0x29: {  	s19 =	sadd.s32 $0x2800, s20;
	[sflag:s16] =	ssyncadd.s32 $0xFFFFC000  }
0x2a: {  	[spmem:s2] =	stream.indirect.scatter.add.f32 [tilespmem:s15], [sflag:$0x2], $0x80, s19, s14, $0xb8;
	[tilespmem:$0x1CC00] =	vst v63  }
0x2b: {  	_ =	swait.ge [sflag:s10], $0x4000  }
0x2c: {  	s19 =	smov.u32 s21;
	[sflag:s10] =	ssyncset.done $0x0  }
0x2d: {  	s18 =	sshra.s32 s18, $0x2;
	[sflag:s10] =	ssyncadd.s32 $0xFFFFC000  }
0x2e: {  	[tilespmem:s15], [sflag:$0x1] =	stream.indirect.gather [hbm4b:s4+s14], $0x80, s18, s14, $0xb8;
	[tilespmem:$0x1CC00] =	vst v63  }
0x2f: {  	_ =	swait.ge [sflag:s16], $0x4000  }
0x30: {  	[sflag:s16] =	ssyncset.done $0x0  }
0x31: {  	s18 =	sadd.s32 $0x2800, s18;
	[sflag:s16] =	ssyncadd.s32 $0xFFFFC000  }
0x32: {  	[spmem:s2] =	stream.indirect.scatter.add.f32 [tilespmem:s15], [sflag:$0x2], $0x80, s18, s14, $0xb8;
	[tilespmem:$0x1CC00] =	vst v63  }
0x33: {  	_ =	swait.ge [sflag:s10], $0x4000  }
0x34: {  	s17 =	sadd.s32 $0x1, s17;
	[sflag:s10] =	ssyncset.done $0x0  }
0x35: {  	p0 =	sne.s32 s17, s9;
	[sflag:s10] =	ssyncadd.s32 $0xFFFFC000  }
.Ltmp1:
0x36: {  	[bflag:$0x0] =	sbarrier.arrive $0xFFFF;
	(pc) =	sbr.rel @p0 .LBB2_1-.Ltmp1, $4  }
0x37: {  	[hbm:s8], [sflag:s12] =	dma.local [spmem:s13], $0x2780  }
0x38: {  	_ =	swait.ge [sflag:s10], $0x2780  }
0x39: {  	[sflag:s10] =	ssyncset.done $0x0  }
0x3a: {  	[sflag:s10] =	ssyncadd.s32 $0xFFFFD880  }
0x3b: {  	_ =	sfence.sel $0x180000  }
0x3c: {  	[bflag:$0x0] =	sbarrier.arrive $0xFFFF  }
0x3d: {  	p0 =	sne.s32 s1, $0x0;
	_ =	strace $0x9000004A  }
0x3e: {  	s0 =	sadd.s32 @!p0 $0x100000, s0;
	[bflag:$0x2] =	sbarrier.arrive $0xFFFF  }
0x3f: {  	[sflag:s0] =	ssyncadd.tile.s32 @!p0 $0x1;
	_ =	shalt  }
.Lfunc_end2:
_tile_overlayer_lowered:
.L_overlay_start_2:
0x40: {  	(tag) =	ssettag $0x2  }
0x41: {  	s0 =	rddreg [dreg:$0x0];
	s2 =	stileid.u32  }
0x42: {  	s1 =	rddreg [dreg:$0x1];
	p0 =	sne.s32 s2, $0x0  }
0x43: {  	s3 =	rddreg [dreg:$0x2];
	[bflag:$0x3] =	sbarrier.arrive $0xFFFF;
	s2 =	simm.s32 @!p0 $0x1C02  }
0x44: {  	[timem:s3], [sflag:s2] =	dma.local @!p0 [hbm:s0], s1  }
0x45: {  	s0 =	simm.s32 @!p0 $0x2  }
0x46: {  	_ =	swait.ge @!p0 [sflag:s0], s1  }
0x47: {  	s1 =	ssub.s32 @!p0 $0x0, s1;
	[sflag:s0] =	ssyncset.done @!p0 $0x0  }
0x48: {  	[sflag:s0] =	ssyncadd.s32 @!p0 s1  }
0x49: {  	[bflag:$0x3] =	sbarrier.arrive $0xFFFF  }
0x4a: {  	_ =	shalt  }

// kernel: kernel.14.cloned.1.call-start
scs
__scs_entry_jumppad:
0x0: {  	(pc) =	sbr.rel $0x88, $3  }
0x1: {  	(tag) =	ssettag $0x0;
	lr =	simm.s32 $0x1  }
0x2: {  	[smem:$0x3F8C] =	sst lr;
	_ =	strace $0xD0000000  }
0x3: {  	_ = 	snop  }
0x4: {  	_ = 	snop  }
0x5: {  	_ = 	snop  }
0x6: {  	_ = 	snop  }
0x7: {  	_ = 	snop  }
__scs_overlays_trampoline_lowered:
0x8: {  	[smem:$0x3F9B] =	sst s0  }
0x9: {  	[smem:$0x3F9C] =	sst s1  }
0xa: {  	[smem:$0x3F9D] =	sst s2  }
0xb: {  	[smem:$0x3F9E] =	sst s3  }
0xc: {  	[smem:$0x3F9F] =	sst s4  }
0xd: {  	[smem:$0x3FA0] =	sst s5  }
0xe: {  	[smem:$0x3FA1] =	sst s6  }
0xf: {  	[smem:$0x3FA2] =	sst s7  }
0x10: {  	[smem:$0x3FA3] =	sst s8  }
0x11: {  	[smem:$0x3FA4] =	sst s9;
	s0 =	simm.s32 @!p0 $0x0  }
0x12: {  	s1 =	sld [smem:$0x3F8A];
	s0 =	simm.s32 @p0 $0x1  }
0x13: {  	[smem:$0x3FA5] =	sst s0;
	s0 =	simm.s32 @!p1 $0x0  }
0x14: {  	s2 =	sld [smem:$0x3F89];
	s0 =	simm.s32 @p1 $0x1  }
0x15: {  	[smem:$0x3FA6] =	sst s0;
	s0 =	simm.s32 @!p2 $0x0  }
0x16: {  	s3 =	sld [smem:$0x3FDB];
	s0 =	simm.s32 @p2 $0x1  }
0x17: {  	s4 =	simm.s32 $0x1BF5;
	[smem:$0x3FA8] =	sst s0  }
0x18: {  	s0 =	sld [smem:$0x3F8B];
	_ =	swait.ge [sflag:s4], $0x0  }
0x19: {  	s7 =	sld [smem:$0x3F8C]  }
0x1a: {  	s8 =	sadd.s32 $0xFFFFE003, lr  }
0x1b: {  	s9 =	sadd.s32 $0xFFFFFEF7, lr;
	s5 =	simm.s32 $0xFFFFFFFF;
	p2 =	slt.u32 s8, $0xFFFFF086  }
0x1c: {  	p1 =	slt.u32 s9, $0xF7A;
	s5 =	simm.s32 @!p2 $0x0  }
0x1d: {  	s5 =	simm.s32 @p1 $0x1;
	p0 =	seq.s32 s7, s2  }
0x1e: {  	s7 =	smul.u32 @!p0 $0xF7A, s2;
	p2 =	seq.s32 @!p0 s5, $0x0  }
0x1f: {  	s9 =	smul.u32 $0xF7A, s1;
	s8 =	simm.s32 @!p0 $0x1BF5;
	p2 =	por !p2, p0  }
0x20: {  	[sflag:s8] =	ssyncset.s32 @!p0 $0xFFFFF086;
	s6 =	sadd.s32 @!p0 s3, s7;
	s7 =	simm.s32 @!p0 $0x108  }
0x21: {  	s3 =	sadd.s32 s3, s9;
	s6 =	sadd.s32 @!p0 $0x88, s6;
	s7 =	simm.s32 @p2 $0x1082  }
0x22: {  	[simem:s7], [sflag:s8] =	dma.local @!p0 [hbm:s6], $0xF7A  }
0x23: {  	s9 =	sor.u32 $0xD0000000, s2;
	s6 =	simm.s32 $0x108;
	_ =	swait.ge @!p0 [sflag:s8], $0x0  }
0x24: {  	s3 =	sadd.s32 $0x88, s3;
	s6 =	simm.s32 @!p1 $0x1082;
	[sflag:s4] =	ssyncset.s32 $0xFFFFF086  }
0x25: {  	[simem:s6], [sflag:s4] =	dma.local [hbm:s3], $0xF7A  }
0x26: {  	[smem:$0x3F8C] =	sst s1;
	(tag) =	ssettag s2;
	_ =	strace s9  }
0x27: {  	s1 =	sld [smem:$0x3F9C]  }
0x28: {  	s2 =	sld [smem:$0x3F9D]  }
0x29: {  	s4 =	sld [smem:$0x3F9F]  }
0x2a: {  	p0 =	seq.s32 s5, $0x0;
	s5 =	sld [smem:$0x3FA0]  }
0x2b: {  	s6 =	sld [smem:$0x3FA1]  }
0x2c: {  	s7 =	sld [smem:$0x3FA2]  }
0x2d: {  	s3 =	simm.s32 $0x108;
	s8 =	sld [smem:$0x3FA3]  }
0x2e: {  	s3 =	simm.s32 @!p0 $0x1082;
	s9 =	sld [smem:$0x3FA4]  }
0x2f: {  	lr =	sadd.s32 s0, s3;
	s0 =	sld [smem:$0x3F9B]  }
0x30: {  	s3 =	sld [smem:$0x3F9E]  }
0x31: {  	[smem:$0x3FA7] =	sst s10  }
0x32: {  	s10 =	sld [smem:$0x3FA5];
	_ =	sdelay $0x3  }
0x33: {  	p0 =	seq.s32 s10, $0x1;
	s10 =	sld [smem:$0x3FA7];
	_ =	sdelay $0x3  }
0x34: {  	[smem:$0x3FA7] =	sst s10  }
0x35: {  	s10 =	sld [smem:$0x3FA6];
	_ =	sdelay $0x3  }
0x36: {  	p1 =	seq.s32 s10, $0x1;
	s10 =	sld [smem:$0x3FA7];
	_ =	sdelay $0x3  }
0x37: {  	[smem:$0x3FA7] =	sst s10  }
0x38: {  	s10 =	sld [smem:$0x3FA8]  }
0x39: {  	_ = 	snop;
	(pc) =	sbr.ind lr, $3  }
0x3a: {  	_ = 	snop  }
0x3b: {  	_ = 	snop  }
0x3c: {  	p2 =	seq.s32 s10, $0x1;
	s10 =	sld [smem:$0x3FA7]  }
0x3d: {  	_ =	shalt  }
0x3e: {  	_ =	shalt  }
0x3f: {  	_ =	shalt  }
0x40: {  	_ =	shalt  }
0x41: {  	_ =	shalt  }
0x42: {  	_ =	shalt  }
0x43: {  	_ =	shalt  }
0x44: {  	_ =	shalt  }
0x45: {  	_ =	shalt  }
0x46: {  	_ =	shalt  }
0x47: {  	_ =	shalt  }
0x48: {  	_ =	shalt  }
0x49: {  	_ =	shalt  }
0x4a: {  	_ =	shalt  }
0x4b: {  	_ =	shalt  }
0x4c: {  	_ =	shalt  }
0x4d: {  	_ =	shalt  }
0x4e: {  	_ =	shalt  }
0x4f: {  	_ =	shalt  }
0x50: {  	_ =	shalt  }
0x51: {  	_ =	shalt  }
0x52: {  	_ =	shalt  }
0x53: {  	_ =	shalt  }
0x54: {  	_ =	shalt  }
0x55: {  	_ =	shalt  }
0x56: {  	_ =	shalt  }
0x57: {  	_ =	shalt  }
0x58: {  	_ =	shalt  }
0x59: {  	_ =	shalt  }
0x5a: {  	_ =	shalt  }
0x5b: {  	_ =	shalt  }
0x5c: {  	_ =	shalt  }
0x5d: {  	_ =	shalt  }
0x5e: {  	_ =	shalt  }
0x5f: {  	_ =	shalt  }
0x60: {  	_ =	shalt  }
0x61: {  	_ =	shalt  }
0x62: {  	_ =	shalt  }
0x63: {  	_ =	shalt  }
0x64: {  	_ =	shalt  }
0x65: {  	_ =	shalt  }
0x66: {  	_ =	shalt  }
0x67: {  	_ =	shalt  }
0x68: {  	_ =	shalt  }
0x69: {  	_ =	shalt  }
0x6a: {  	_ =	shalt  }
0x6b: {  	_ =	shalt  }
0x6c: {  	_ =	shalt  }
0x6d: {  	_ =	shalt  }
0x6e: {  	_ =	shalt  }
0x6f: {  	_ =	shalt  }
0x70: {  	_ =	shalt  }
0x71: {  	_ =	shalt  }
0x72: {  	_ =	shalt  }
0x73: {  	_ =	shalt  }
0x74: {  	_ =	shalt  }
0x75: {  	_ =	shalt  }
0x76: {  	_ =	shalt  }
0x77: {  	_ =	shalt  }
0x78: {  	_ =	shalt  }
0x79: {  	_ =	shalt  }
0x7a: {  	_ =	shalt  }
0x7b: {  	_ =	shalt  }
0x7c: {  	_ =	shalt  }
0x7d: {  	_ =	shalt  }
0x7e: {  	_ =	shalt  }
0x7f: {  	_ =	shalt  }
0x80: {  	_ =	shalt  }
0x81: {  	_ =	shalt  }
0x82: {  	_ =	shalt  }
0x83: {  	_ =	shalt  }
0x84: {  	_ =	shalt  }
0x85: {  	_ =	shalt  }
0x86: {  	_ =	shalt  }
0x87: {  	_ =	shalt  }
.Lfunc_end0:
.L_simem_size_0:
called_computation.2_lowered:
.L_overlay_start_0:
0x88: {  	s2 =	sld [smem:$0x3FD9]  }
0x89: {  	s3 =	sld [smem:$0x3FFE];
	_ =	sdelay $0x1  }
0x8a: {  	s1 =	srdreg.scid  }
0x8b: {  	s0 =	sand.u32 $0x1, s1  }
0x8c: {  	s14 =	sshll.u32 s0, $0xA;
	s2 =	sadd.s32 s3, s2  }
0x8d: {  	s2 =	sadd.s32 s2, s14  }
0x8e: {  	[smem:$0x3FB3] =	sst s2  }
0x8f: {  	_ = 	snop  }
0x90: {  	s2 =	sld [smem:$0x3FD0];
	_ =	sdelay $0x2  }
0x91: {  	s15 =	simm.s32 $0xA;
	s4 =	simm.s32 $0x10  }
0x92: {  	[smem:s4], [sflag:s15] =	dma.local [hbm:s2], $0x1  }
0x93: {  	_ =	swait.eq [sflag:s15], $0x1  }
0x94: {  	[sflag:s15] =	ssyncset.done $0x0  }
0x95: {  	[sflag:s15] =	ssyncadd.s32 $0xFFFFFFFF  }
0x96: {  	s16 =	sld [smem:$0x10];
	(tm) =	ssettm $0x1  }
0x97: {  	s17 =	sld [smem:$0x3FFB];
	_ =	sdelay $0x3  }
0x98: {  	_ =	strace s17  }
0x99: {  	s3 =	sld [smem:$0x3FFC];
	_ =	sdelay $0x3  }
0x9a: {  	_ =	strace s3  }
0x9b: {  	s3 =	sld [smem:$0x3FFD];
	_ =	sdelay $0x3  }
0x9c: {  	_ =	strace s3  }
0x9d: {  	_ =	strace $0x8FFFFFFF  }
0x9e: {  	s18 =	sld [smem:$0x3FDB];
	_ =	sdelay $0x1  }
0x9f: {  	s19 =	simm.s32 $_scs_section_size  }
0xa0: {  	s5 =	simm.s32 $_size__tile_overlayer_lowered;
	s6 =	simm.s32 $_tile_overlayer_lowered  }
0xa1: {  	s22 =	simm.s32 $0x1BFF;
	s21 =	sshll.u32 s6, $0x1;
	s3 =	sadd.s32 s19, s18  }
0xa2: {  	s7 =	simm.s32 $0x0;
	s20 =	sshll.u32 s5, $0x1;
	s5 =	sadd.s32 s21, s3  }
0xa3: {  	[timem:s7], [sflag:s22] =	dma.local [hbm:s5], s20  }
0xa4: {  	_ =	swait.ge [sflag:s22], s20  }
0xa5: {  	s4 =	ssub.s32 $0x0, s20;
	[sflag:s22] =	ssyncset.done $0x0  }
0xa6: {  	[sflag:s22] =	ssyncadd.s32 s4;
	_ =	sdelay $0x1  }
0xa7: {  	s23 =	simm.s32 $0x1B8B  }
0xa8: {  	_ =	swait.ge [sflag:s23], $0x1  }
0xa9: {  	[sflag:s23] =	ssyncset.done $0x0  }
0xaa: {  	s25 =	simm.s32 $0x1B8E;
	s24 =	sld [smem:$0x3FFE];
	[sflag:s23] =	ssyncadd.s32 $0xFFFFFFFF  }
0xab: {  	s26 =	simm.s32 $execute0_lowered;
	[smem:$0x3FD2] =	sst s25  }
0xac: {  	s5 =	sshll.u32 s26, $0x1;
	_ =	strace $0x8000004C;
	[dreg:$0x1] =	wrdreg $0xFFFFFFFF  }
0xad: {  	s28 =	simm.s32 $_size_execute0_lowered;
	s3 =	sadd.s32 s3, s5;
	[dreg:$0x0] =	wrdreg $0x0  }
0xae: {  	s5 =	sshll.u32 s28, $0x1;
	[dreg:$0x2] =	wrdreg s3  }
0xaf: {  	[dreg:$0x3] =	wrdreg s5  }
0xb0: {  	[dreg:$0x4] =	wrdreg $0xC0  }
0xb1: {  	_ =	task [dreg:s7], $0x5FFFF  }
0xb2: {  	[dreg:$0x1] =	wrdreg $0xFFFFFFFF  }
0xb3: {  	[dreg:$0x0] =	wrdreg $0x60  }
0xb4: {  	[dreg:$0x2] =	wrdreg s24  }
0xb5: {  	[dreg:$0x3] =	wrdreg s16  }
0xb6: {  	[dreg:$0x4] =	wrdreg $0x90000  }
0xb7: {  	[dreg:$0x5] =	wrdreg $0x9  }
0xb8: {  	_ =	task.clear_ibuf [dreg:s7], $0x6FFFF;
	_ =	strace $0x9000004C  }
0xb9: {  	s29 =	simm.s32 $0x9;
	_ =	strace $0x8000004E  }
0xba: {  	_ =	swait.ge [sflag:s29], $0x1  }
0xbb: {  	[sflag:s29] =	ssyncadd.s32 $0xFFFFFFFF  }
0xbc: {  	_ =	strace $0x9000004E  }
0xbd: {  	_ =	sfence  }
0xbe: {  	s30 =	sld [smem:$0x0];
	_ =	sdelay $0x2  }
0xbf: {  	s31 =	sshll.u32 s1, $0xD;
	s1 =	sshrl.u32 s1, $0x2  }
0xc0: {  	s3 =	sand.u32 $0x4000, s31;
	s1 =	sadd.s32 s1, s30  }
0xc1: {  	s0 =	sor.u32 s3, s0;
	s1 =	sshll.u32 s1, $0x11  }
0xc2: {  	s0 =	sor.u32 s1, s0  }
0xc3: {  	s0 =	sadd.s32 $0x8F2B, s0  }
0xc4: {  	[sflag:s0] =	ssyncadd.remote.s32 $0x1  }
0xc5: {  	_ =	sfence.sel $0xFFFF  }
0xc6: {  	[dreg:$0x0] =	wrdreg $0xFFFFFFFF;
	(pc) =	sbr.abs _section_cstart, $3  }
0xc7: {  	[dreg:$0x1] =	wrdreg $0xFFFFFFFF  }
0xc8: {  	_ =	task.clear_ibuf [dreg:s7], $0x2FFFF;
	_ =	strace $0x9FFFFFFF  }
0xc9: {  	(tm) =	ssettm $0x7FFFFFFF  }
tec
execute0_lowered:
.L_overlay_start_1:
0x0: {  	(tag) =	ssettag $0x1  }
0x1: {  	s5 =	rddreg [dreg:$0x0]  }
0x2: {  	s0 =	srdreg.scid;
	s8 =	rddreg [dreg:$0x1]  }
0x3: {  	s2 =	rddreg [dreg:$0x2];
	s1 =	stileid.u32  }
0x4: {  	s3 =	simm.s32 $0x0;
	s14 =	simm.s32 $0x80;
	s15 =	simm.s32 $0x5000  }
0x5: {  	s16 =	simm.s32 $0x1;
	s6 =	sand.u32 $0x1, s0;
	s0 =	rddreg [dreg:$0x3]  }
0x6: {  	s17 =	simm.s32 $0x0;
	[smem:$0x7FF] =	sst s3;
	s9 =	smul.u32 $0x13C00, s1  }
0x7: {  	s11 =	smul.u32 $0x4F000, s1;
	s31 =	sshll.u32 s1, $0x6;
	s4 =	sshll.u32 s6, $0x4  }
0x8: {  	_ =	strace $0x8000004D;
	s10 =	ssub.s32 $0x2, s6;
	s6 =	smul.u32 $0x13C000, s6  }
0x9: {  	s4 =	sor.u32 s1, s4;
	s12 =	sshrl.u32 s9, $0x3;
	s13 =	sshrl.u32 s10, $0x1  }
0xa: {  	s11 =	sshrl.u32 s11, $0x2;
	s7 =	smul.u32 $0x500, s4;
	s4 =	sadd.s32 $0x3FE00, s5  }
0xb: {  	s12 =	sadd.s32 s12, s5;
	s10 =	ssub.s32 s10, s13;
	s9 =	sadd.s32 s9, s6  }
0xc: {  	s30 =	sadd.s32 s11, s2;
	s11 =	simm.s32 $0x2800;
	s9 =	sshrl.u32 s9, $0x3  }
0xd: {  	s13 =	sshrl.u32 s30, $0x3;
	s7 =	sadd.s32 s7, s5;
	s8 =	sadd.s32 s8, s9  }
0xe: {  	s9 =	smax.u32 s10, $0x1;
	s10 =	simm.s32 $0x2;
	s5 =	sadd.s32 $0xE600, s7  }
0xf: {  	s6 =	sadd.s32 $0x4600, s7;
	s7 =	sadd.s32 $0x18600, s12;
	s12 =	sor.u32 $0x1C02, s31  }
.LBB2_1:
0x10: {  	[tilespmem:s3], [sflag:$0x2] =	stream.linear.gather [hbm4b:s5+s3], $0x2780, $0x38;
	[tilespmem:$0x1CC00] =	vst v63  }
0x11: {  	_ =	swait.ge [sflag:s10], $0x2780  }
0x12: {  	[sflag:s10] =	ssyncset.done $0x0  }
0x13: {  	[sflag:s10] =	ssyncadd.s32 $0xFFFFD880  }
0x14: {  	[tilespmem:s11], [sflag:$0x2] =	stream.linear.gather [hbm4b:s6+s3], $0x2780, $0x38;
	[tilespmem:$0x1CC00] =	vst v63  }
0x15: {  	_ =	swait.ge [sflag:s10], $0x2780  }
0x16: {  	[sflag:s10] =	ssyncset.done $0x0  }
0x17: {  	[sflag:s10] =	ssyncadd.s32 $0xFFFFD880  }
0x18: {  	[spmem:s13], [sflag:s12] =	dma.local [hbm:s7], $0x2780  }
0x19: {  	_ =	swait.ge [sflag:s10], $0x2780  }
0x1a: {  	[sflag:s10] =	ssyncset.done $0x0  }
0x1b: {  	[sflag:s10] =	ssyncadd.s32 $0xFFFFD880  }
0x1c: {  	s18 =	simm.s32 $0x0;
	[bflag:$0x0] =	sbarrier.arrive $0xFFFF  }
0x1d: {  	[tilespmem:s15], [sflag:$0x1] =	stream.indirect.gather [hbm4b:s4+s14], $0x80, s18, s14, $0xb8;
	[tilespmem:$0x1CC00] =	vst v63  }
0x1e: {  	_ =	swait.ge [sflag:s16], $0x4000  }
0x1f: {  	[sflag:s16] =	ssyncset.done $0x0  }
0x20: {  	s31 =	simm.s32 $0x2800;
	[sflag:s16] =	ssyncadd.s32 $0xFFFFC000  }
0x21: {  	[spmem:s2] =	stream.indirect.scatter.add.f32 [tilespmem:s15], [sflag:$0x2], $0x80, s31, s14, $0xb8;
	[tilespmem:$0x1CC00] =	vst v63  }
0x22: {  	_ =	swait.ge [sflag:s10], $0x4000  }
0x23: {  	s19 =	simm.s32 $0x400;
	s18 =	simm.s32 $0x200;
	[sflag:s10] =	ssyncset.done $0x0  }
.LBB2_2:
0x24: {  	s20 =	sshra.s32 s18, $0x2  }
0x25: {  	[sflag:s10] =	ssyncadd.s32 $0xFFFFC000;
	s18 =	smov.u32 s19;
	s21 =	sadd.s32 $0x200, s19  }
0x26: {  	[tilespmem:s15], [sflag:$0x1] =	stream.indirect.gather [hbm4b:s4+s14], $0x80, s20, s14, $0xb8;
	[tilespmem:$0x1CC00] =	vst v63  }
0x27: {  	p0 =	sne.s32 s19, $0x9C00;
	_ =	swait.ge [sflag:s16], $0x4000  }
.Ltmp0:
0x28: {  	[sflag:s16] =	ssyncset.done $0x0;
	(pc) =	sbr.rel @p0 .LBB2_2-.Ltmp0, $4  }
0x29: {  	s19 =	sadd.s32 $0x2800, s20;
	[sflag:s16] =	ssyncadd.s32 $0xFFFFC000  }
0x2a: {  	[spmem:s2] =	stream.indirect.scatter.add.f32 [tilespmem:s15], [sflag:$0x2], $0x80, s19, s14, $0xb8;
	[tilespmem:$0x1CC00] =	vst v63  }
0x2b: {  	_ =	swait.ge [sflag:s10], $0x4000  }
0x2c: {  	s19 =	smov.u32 s21;
	[sflag:s10] =	ssyncset.done $0x0  }
0x2d: {  	s18 =	sshra.s32 s18, $0x2;
	[sflag:s10] =	ssyncadd.s32 $0xFFFFC000  }
0x2e: {  	[tilespmem:s15], [sflag:$0x1] =	stream.indirect.gather [hbm4b:s4+s14], $0x80, s18, s14, $0xb8;
	[tilespmem:$0x1CC00] =	vst v63  }
0x2f: {  	_ =	swait.ge [sflag:s16], $0x4000  }
0x30: {  	[sflag:s16] =	ssyncset.done $0x0  }
0x31: {  	s18 =	sadd.s32 $0x2800, s18;
	[sflag:s16] =	ssyncadd.s32 $0xFFFFC000  }
0x32: {  	[spmem:s2] =	stream.indirect.scatter.add.f32 [tilespmem:s15], [sflag:$0x2], $0x80, s18, s14, $0xb8;
	[tilespmem:$0x1CC00] =	vst v63  }
0x33: {  	_ =	swait.ge [sflag:s10], $0x4000  }
0x34: {  	s17 =	sadd.s32 $0x1, s17;
	[sflag:s10] =	ssyncset.done $0x0  }
0x35: {  	p0 =	sne.s32 s17, s9;
	[sflag:s10] =	ssyncadd.s32 $0xFFFFC000  }
.Ltmp1:
0x36: {  	[bflag:$0x0] =	sbarrier.arrive $0xFFFF;
	(pc) =	sbr.rel @p0 .LBB2_1-.Ltmp1, $4  }
0x37: {  	[hbm:s8], [sflag:s12] =	dma.local [spmem:s13], $0x2780  }
0x38: {  	_ =	swait.ge [sflag:s10], $0x2780  }
0x39: {  	[sflag:s10] =	ssyncset.done $0x0  }
0x3a: {  	[sflag:s10] =	ssyncadd.s32 $0xFFFFD880  }
0x3b: {  	_ =	sfence.sel $0x180000  }
0x3c: {  	[bflag:$0x0] =	sbarrier.arrive $0xFFFF  }
0x3d: {  	p0 =	sne.s32 s1, $0x0;
	_ =	strace $0x9000004D  }
0x3e: {  	s0 =	sadd.s32 @!p0 $0x100000, s0;
	[bflag:$0x2] =	sbarrier.arrive $0xFFFF  }
0x3f: {  	[sflag:s0] =	ssyncadd.tile.s32 @!p0 $0x1;
	_ =	shalt  }
.Lfunc_end2:
_tile_overlayer_lowered:
.L_overlay_start_2:
0x40: {  	(tag) =	ssettag $0x2  }
0x41: {  	s0 =	rddreg [dreg:$0x0];
	s2 =	stileid.u32  }
0x42: {  	s1 =	rddreg [dreg:$0x1];
	p0 =	sne.s32 s2, $0x0  }
0x43: {  	s3 =	rddreg [dreg:$0x2];
	[bflag:$0x3] =	sbarrier.arrive $0xFFFF;
	s2 =	simm.s32 @!p0 $0x1C02  }
0x44: {  	[timem:s3], [sflag:s2] =	dma.local @!p0 [hbm:s0], s1  }
0x45: {  	s0 =	simm.s32 @!p0 $0x2  }
0x46: {  	_ =	swait.ge @!p0 [sflag:s0], s1  }
0x47: {  	s1 =	ssub.s32 @!p0 $0x0, s1;
	[sflag:s0] =	ssyncset.done @!p0 $0x0  }
0x48: {  	[sflag:s0] =	ssyncadd.s32 @!p0 s1  }
0x49: {  	[bflag:$0x3] =	sbarrier.arrive $0xFFFF  }
0x4a: {  	_ =	shalt  }

// kernel: kernel.8.cloned.1.call-start
scs
__scs_entry_jumppad:
0x0: {  	(pc) =	sbr.rel $0x88, $3  }
0x1: {  	(tag) =	ssettag $0x0;
	lr =	simm.s32 $0x1  }
0x2: {  	[smem:$0x3F8C] =	sst lr;
	_ =	strace $0xD0000000  }
0x3: {  	_ = 	snop  }
0x4: {  	_ = 	snop  }
0x5: {  	_ = 	snop  }
0x6: {  	_ = 	snop  }
0x7: {  	_ = 	snop  }
__scs_overlays_trampoline_lowered:
0x8: {  	[smem:$0x3F9B] =	sst s0  }
0x9: {  	[smem:$0x3F9C] =	sst s1  }
0xa: {  	[smem:$0x3F9D] =	sst s2  }
0xb: {  	[smem:$0x3F9E] =	sst s3  }
0xc: {  	[smem:$0x3F9F] =	sst s4  }
0xd: {  	[smem:$0x3FA0] =	sst s5  }
0xe: {  	[smem:$0x3FA1] =	sst s6  }
0xf: {  	[smem:$0x3FA2] =	sst s7  }
0x10: {  	[smem:$0x3FA3] =	sst s8  }
0x11: {  	[smem:$0x3FA4] =	sst s9;
	s0 =	simm.s32 @!p0 $0x0  }
0x12: {  	s1 =	sld [smem:$0x3F8A];
	s0 =	simm.s32 @p0 $0x1  }
0x13: {  	[smem:$0x3FA5] =	sst s0;
	s0 =	simm.s32 @!p1 $0x0  }
0x14: {  	s2 =	sld [smem:$0x3F89];
	s0 =	simm.s32 @p1 $0x1  }
0x15: {  	[smem:$0x3FA6] =	sst s0;
	s0 =	simm.s32 @!p2 $0x0  }
0x16: {  	s3 =	sld [smem:$0x3FDB];
	s0 =	simm.s32 @p2 $0x1  }
0x17: {  	s4 =	simm.s32 $0x1BF5;
	[smem:$0x3FA8] =	sst s0  }
0x18: {  	s0 =	sld [smem:$0x3F8B];
	_ =	swait.ge [sflag:s4], $0x0  }
0x19: {  	s7 =	sld [smem:$0x3F8C]  }
0x1a: {  	s8 =	sadd.s32 $0xFFFFE003, lr  }
0x1b: {  	s9 =	sadd.s32 $0xFFFFFEF7, lr;
	s5 =	simm.s32 $0xFFFFFFFF;
	p2 =	slt.u32 s8, $0xFFFFF086  }
0x1c: {  	p1 =	slt.u32 s9, $0xF7A;
	s5 =	simm.s32 @!p2 $0x0  }
0x1d: {  	s5 =	simm.s32 @p1 $0x1;
	p0 =	seq.s32 s7, s2  }
0x1e: {  	s7 =	smul.u32 @!p0 $0xF7A, s2;
	p2 =	seq.s32 @!p0 s5, $0x0  }
0x1f: {  	s9 =	smul.u32 $0xF7A, s1;
	s8 =	simm.s32 @!p0 $0x1BF5;
	p2 =	por !p2, p0  }
0x20: {  	[sflag:s8] =	ssyncset.s32 @!p0 $0xFFFFF086;
	s6 =	sadd.s32 @!p0 s3, s7;
	s7 =	simm.s32 @!p0 $0x108  }
0x21: {  	s3 =	sadd.s32 s3, s9;
	s6 =	sadd.s32 @!p0 $0x88, s6;
	s7 =	simm.s32 @p2 $0x1082  }
0x22: {  	[simem:s7], [sflag:s8] =	dma.local @!p0 [hbm:s6], $0xF7A  }
0x23: {  	s9 =	sor.u32 $0xD0000000, s2;
	s6 =	simm.s32 $0x108;
	_ =	swait.ge @!p0 [sflag:s8], $0x0  }
0x24: {  	s3 =	sadd.s32 $0x88, s3;
	s6 =	simm.s32 @!p1 $0x1082;
	[sflag:s4] =	ssyncset.s32 $0xFFFFF086  }
0x25: {  	[simem:s6], [sflag:s4] =	dma.local [hbm:s3], $0xF7A  }
0x26: {  	[smem:$0x3F8C] =	sst s1;
	(tag) =	ssettag s2;
	_ =	strace s9  }
0x27: {  	s1 =	sld [smem:$0x3F9C]  }
0x28: {  	s2 =	sld [smem:$0x3F9D]  }
0x29: {  	s4 =	sld [smem:$0x3F9F]  }
0x2a: {  	p0 =	seq.s32 s5, $0x0;
	s5 =	sld [smem:$0x3FA0]  }
0x2b: {  	s6 =	sld [smem:$0x3FA1]  }
0x2c: {  	s7 =	sld [smem:$0x3FA2]  }
0x2d: {  	s3 =	simm.s32 $0x108;
	s8 =	sld [smem:$0x3FA3]  }
0x2e: {  	s3 =	simm.s32 @!p0 $0x1082;
	s9 =	sld [smem:$0x3FA4]  }
0x2f: {  	lr =	sadd.s32 s0, s3;
	s0 =	sld [smem:$0x3F9B]  }
0x30: {  	s3 =	sld [smem:$0x3F9E]  }
0x31: {  	[smem:$0x3FA7] =	sst s10  }
0x32: {  	s10 =	sld [smem:$0x3FA5];
	_ =	sdelay $0x3  }
0x33: {  	p0 =	seq.s32 s10, $0x1;
	s10 =	sld [smem:$0x3FA7];
	_ =	sdelay $0x3  }
0x34: {  	[smem:$0x3FA7] =	sst s10  }
0x35: {  	s10 =	sld [smem:$0x3FA6];
	_ =	sdelay $0x3  }
0x36: {  	p1 =	seq.s32 s10, $0x1;
	s10 =	sld [smem:$0x3FA7];
	_ =	sdelay $0x3  }
0x37: {  	[smem:$0x3FA7] =	sst s10  }
0x38: {  	s10 =	sld [smem:$0x3FA8]  }
0x39: {  	_ = 	snop;
	(pc) =	sbr.ind lr, $3  }
0x3a: {  	_ = 	snop  }
0x3b: {  	_ = 	snop  }
0x3c: {  	p2 =	seq.s32 s10, $0x1;
	s10 =	sld [smem:$0x3FA7]  }
0x3d: {  	_ =	shalt  }
0x3e: {  	_ =	shalt  }
0x3f: {  	_ =	shalt  }
0x40: {  	_ =	shalt  }
0x41: {  	_ =	shalt  }
0x42: {  	_ =	shalt  }
0x43: {  	_ =	shalt  }
0x44: {  	_ =	shalt  }
0x45: {  	_ =	shalt  }
0x46: {  	_ =	shalt  }
0x47: {  	_ =	shalt  }
0x48: {  	_ =	shalt  }
0x49: {  	_ =	shalt  }
0x4a: {  	_ =	shalt  }
0x4b: {  	_ =	shalt  }
0x4c: {  	_ =	shalt  }
0x4d: {  	_ =	shalt  }
0x4e: {  	_ =	shalt  }
0x4f: {  	_ =	shalt  }
0x50: {  	_ =	shalt  }
0x51: {  	_ =	shalt  }
0x52: {  	_ =	shalt  }
0x53: {  	_ =	shalt  }
0x54: {  	_ =	shalt  }
0x55: {  	_ =	shalt  }
0x56: {  	_ =	shalt  }
0x57: {  	_ =	shalt  }
0x58: {  	_ =	shalt  }
0x59: {  	_ =	shalt  }
0x5a: {  	_ =	shalt  }
0x5b: {  	_ =	shalt  }
0x5c: {  	_ =	shalt  }
0x5d: {  	_ =	shalt  }
0x5e: {  	_ =	shalt  }
0x5f: {  	_ =	shalt  }
0x60: {  	_ =	shalt  }
0x61: {  	_ =	shalt  }
0x62: {  	_ =	shalt  }
0x63: {  	_ =	shalt  }
0x64: {  	_ =	shalt  }
0x65: {  	_ =	shalt  }
0x66: {  	_ =	shalt  }
0x67: {  	_ =	shalt  }
0x68: {  	_ =	shalt  }
0x69: {  	_ =	shalt  }
0x6a: {  	_ =	shalt  }
0x6b: {  	_ =	shalt  }
0x6c: {  	_ =	shalt  }
0x6d: {  	_ =	shalt  }
0x6e: {  	_ =	shalt  }
0x6f: {  	_ =	shalt  }
0x70: {  	_ =	shalt  }
0x71: {  	_ =	shalt  }
0x72: {  	_ =	shalt  }
0x73: {  	_ =	shalt  }
0x74: {  	_ =	shalt  }
0x75: {  	_ =	shalt  }
0x76: {  	_ =	shalt  }
0x77: {  	_ =	shalt  }
0x78: {  	_ =	shalt  }
0x79: {  	_ =	shalt  }
0x7a: {  	_ =	shalt  }
0x7b: {  	_ =	shalt  }
0x7c: {  	_ =	shalt  }
0x7d: {  	_ =	shalt  }
0x7e: {  	_ =	shalt  }
0x7f: {  	_ =	shalt  }
0x80: {  	_ =	shalt  }
0x81: {  	_ =	shalt  }
0x82: {  	_ =	shalt  }
0x83: {  	_ =	shalt  }
0x84: {  	_ =	shalt  }
0x85: {  	_ =	shalt  }
0x86: {  	_ =	shalt  }
0x87: {  	_ =	shalt  }
.Lfunc_end0:
.L_simem_size_0:
called_computation_lowered:
.L_overlay_start_0:
0x88: {  	s2 =	sld [smem:$0x3FD9]  }
0x89: {  	s3 =	sld [smem:$0x3FFE];
	_ =	sdelay $0x1  }
0x8a: {  	s1 =	srdreg.scid  }
0x8b: {  	s0 =	sand.u32 $0x1, s1  }
0x8c: {  	s14 =	sshll.u32 s0, $0xA;
	s2 =	sadd.s32 s3, s2  }
0x8d: {  	s2 =	sadd.s32 s2, s14  }
0x8e: {  	[smem:$0x3FB3] =	sst s2  }
0x8f: {  	_ = 	snop  }
0x90: {  	s2 =	sld [smem:$0x3FD0];
	_ =	sdelay $0x2  }
0x91: {  	s4 =	simm.s32 $0xA;
	s5 =	simm.s32 $0x10;
	s15 =	sld [smem:$0x3FC9]  }
0x92: {  	[smem:s5], [sflag:s4] =	dma.local [hbm:s2], $0x1  }
0x93: {  	_ =	swait.eq [sflag:s4], $0x1  }
0x94: {  	[sflag:s4] =	ssyncset.done $0x0  }
0x95: {  	[sflag:s4] =	ssyncadd.s32 $0xFFFFFFFF  }
0x96: {  	s16 =	sld [smem:$0x10];
	(tm) =	ssettm $0x1  }
0x97: {  	s17 =	sld [smem:$0x3FFB];
	_ =	sdelay $0x3  }
0x98: {  	_ =	strace s17  }
0x99: {  	s4 =	sld [smem:$0x3FFC];
	_ =	sdelay $0x3  }
0x9a: {  	_ =	strace s4  }
0x9b: {  	s4 =	sld [smem:$0x3FFD];
	_ =	sdelay $0x3  }
0x9c: {  	_ =	strace s4  }
0x9d: {  	_ =	strace $0x8FFFFFFF  }
0x9e: {  	s18 =	sld [smem:$0x3FDB];
	_ =	sdelay $0x1  }
0x9f: {  	s19 =	simm.s32 $_scs_section_size  }
0xa0: {  	s6 =	simm.s32 $_size__tile_overlayer_lowered;
	s7 =	simm.s32 $_tile_overlayer_lowered  }
0xa1: {  	s22 =	simm.s32 $0x1BFF;
	s21 =	sshll.u32 s7, $0x1;
	s4 =	sadd.s32 s19, s18  }
0xa2: {  	s8 =	simm.s32 $0x0;
	s20 =	sshll.u32 s6, $0x1;
	s6 =	sadd.s32 s21, s4  }
0xa3: {  	[timem:s8], [sflag:s22] =	dma.local [hbm:s6], s20  }
0xa4: {  	_ =	swait.ge [sflag:s22], s20  }
0xa5: {  	s5 =	ssub.s32 $0x0, s20;
	[sflag:s22] =	ssyncset.done $0x0  }
0xa6: {  	[sflag:s22] =	ssyncadd.s32 s5;
	_ =	sdelay $0x1  }
0xa7: {  	s23 =	simm.s32 $0x1B8B  }
0xa8: {  	_ =	swait.ge [sflag:s23], $0x1  }
0xa9: {  	[sflag:s23] =	ssyncset.done $0x0  }
0xaa: {  	s25 =	simm.s32 $0x1B8E;
	s24 =	sld [smem:$0x3FFE];
	[sflag:s23] =	ssyncadd.s32 $0xFFFFFFFF  }
0xab: {  	s26 =	simm.s32 $execute0_lowered;
	[smem:$0x3FD2] =	sst s25  }
0xac: {  	s6 =	sshll.u32 s26, $0x1;
	_ =	strace $0x80000046;
	[dreg:$0x1] =	wrdreg $0xFFFFFFFF  }
0xad: {  	s28 =	simm.s32 $_size_execute0_lowered;
	s4 =	sadd.s32 s4, s6;
	[dreg:$0x0] =	wrdreg $0x0  }
0xae: {  	s6 =	sshll.u32 s28, $0x1;
	[dreg:$0x2] =	wrdreg s4  }
0xaf: {  	[dreg:$0x3] =	wrdreg s6  }
0xb0: {  	[dreg:$0x4] =	wrdreg $0xC0  }
0xb1: {  	_ =	task [dreg:s8], $0x5FFFF  }
0xb2: {  	[dreg:$0x1] =	wrdreg $0xFFFFFFFF  }
0xb3: {  	[dreg:$0x0] =	wrdreg $0x60  }
0xb4: {  	[dreg:$0x2] =	wrdreg s15  }
0xb5: {  	[dreg:$0x3] =	wrdreg s24  }
0xb6: {  	[dreg:$0x4] =	wrdreg s16  }
0xb7: {  	[dreg:$0x5] =	wrdreg $0x90000  }
0xb8: {  	[dreg:$0x6] =	wrdreg $0x9  }
0xb9: {  	_ =	task.clear_ibuf [dreg:s8], $0x7FFFF;
	_ =	strace $0x90000046  }
0xba: {  	s29 =	simm.s32 $0x9;
	_ =	strace $0x80000048  }
0xbb: {  	_ =	swait.ge [sflag:s29], $0x1  }
0xbc: {  	[sflag:s29] =	ssyncadd.s32 $0xFFFFFFFF  }
0xbd: {  	_ =	strace $0x90000048  }
0xbe: {  	_ =	sfence  }
0xbf: {  	s30 =	sld [smem:$0x0];
	_ =	sdelay $0x2  }
0xc0: {  	s31 =	sshll.u32 s1, $0xD;
	s1 =	sshrl.u32 s1, $0x2  }
0xc1: {  	s3 =	sand.u32 $0x4000, s31;
	s1 =	sadd.s32 s1, s30  }
0xc2: {  	s0 =	sor.u32 s3, s0;
	s1 =	sshll.u32 s1, $0x11  }
0xc3: {  	s0 =	sor.u32 s1, s0  }
0xc4: {  	s0 =	sadd.s32 $0x8F2B, s0  }
0xc5: {  	[sflag:s0] =	ssyncadd.remote.s32 $0x1  }
0xc6: {  	_ =	sfence.sel $0xFFFF  }
0xc7: {  	[dreg:$0x0] =	wrdreg $0xFFFFFFFF;
	(pc) =	sbr.abs _section_cstart, $3  }
0xc8: {  	[dreg:$0x1] =	wrdreg $0xFFFFFFFF  }
0xc9: {  	_ =	task.clear_ibuf [dreg:s8], $0x2FFFF;
	_ =	strace $0x9FFFFFFF  }
0xca: {  	(tm) =	ssettm $0x7FFFFFFF  }
0xcb: {  	_ =	shalt  }
tec
execute0_lowered:
.L_overlay_start_1:
0x0: {  	(tag) =	ssettag $0x1  }
0x1: {  	s0 =	rddreg [dreg:$0x0]  }
0x2: {  	s5 =	rddreg [dreg:$0x1]  }
0x3: {  	s8 =	rddreg [dreg:$0x2]  }
0x4: {  	s1 =	srdreg.scid;
	s3 =	rddreg [dreg:$0x3]  }
0x5: {  	s4 =	simm.s32 $0x0;
	s14 =	simm.s32 $0x80;
	s15 =	simm.s32 $0x5000  }
0x6: {  	s16 =	simm.s32 $0x1;
	s6 =	sand.u32 $0x1, s1;
	s1 =	stileid.u32  }
0x7: {  	s17 =	simm.s32 $0x0;
	[smem:$0x7FF] =	sst s4;
	s9 =	smul.u32 $0x13C00, s1  }
0x8: {  	s2 =	sshll.u32 s6, $0x4;
	s10 =	ssub.s32 $0x2, s6;
	s11 =	smul.u32 $0x4F000, s1  }
0x9: {  	s6 =	smul.u32 $0x13C000, s6;
	s31 =	sshll.u32 s1, $0x6;
	s7 =	sor.u32 s1, s2  }
0xa: {  	s2 =	rddreg [dreg:$0x4];
	_ =	strace $0x80000047;
	s13 =	sshrl.u32 s10, $0x1  }
0xb: {  	s7 =	smul.u32 $0x500, s7;
	s12 =	sshrl.u32 s9, $0x3;
	s10 =	ssub.s32 s10, s13  }
0xc: {  	s11 =	sshrl.u32 s11, $0x2;
	s9 =	sadd.s32 s9, s6;
	s12 =	sadd.s32 s12, s5  }
0xd: {  	s30 =	sadd.s32 s11, s3;
	s9 =	sshrl.u32 s9, $0x3;
	s11 =	simm.s32 $0x2800  }
0xe: {  	s7 =	sadd.s32 s7, s5;
	s8 =	sadd.s32 s8, s9;
	s9 =	smax.u32 s10, $0x1  }
0xf: {  	s10 =	simm.s32 $0x2;
	s13 =	sshrl.u32 s30, $0x3;
	s5 =	sadd.s32 $0xE600, s7  }
0x10: {  	s6 =	sadd.s32 $0x4600, s7;
	s7 =	sadd.s32 $0x18600, s12;
	s12 =	sor.u32 $0x1C02, s31  }
.LBB2_1:
0x11: {  	[tilespmem:s4], [sflag:$0x2] =	stream.linear.gather [hbm4b:s5+s4], $0x2780, $0x38;
	[tilespmem:$0x1CC00] =	vst v63  }
0x12: {  	_ =	swait.ge [sflag:s10], $0x2780  }
0x13: {  	[sflag:s10] =	ssyncset.done $0x0  }
0x14: {  	[sflag:s10] =	ssyncadd.s32 $0xFFFFD880  }
0x15: {  	[tilespmem:s11], [sflag:$0x2] =	stream.linear.gather [hbm4b:s6+s4], $0x2780, $0x38;
	[tilespmem:$0x1CC00] =	vst v63  }
0x16: {  	_ =	swait.ge [sflag:s10], $0x2780  }
0x17: {  	[sflag:s10] =	ssyncset.done $0x0  }
0x18: {  	[sflag:s10] =	ssyncadd.s32 $0xFFFFD880  }
0x19: {  	[spmem:s13], [sflag:s12] =	dma.local [hbm:s7], $0x2780  }
0x1a: {  	_ =	swait.ge [sflag:s10], $0x2780  }
0x1b: {  	[sflag:s10] =	ssyncset.done $0x0  }
0x1c: {  	[sflag:s10] =	ssyncadd.s32 $0xFFFFD880  }
0x1d: {  	s18 =	simm.s32 $0x0;
	[bflag:$0x0] =	sbarrier.arrive $0xFFFF  }
0x1e: {  	[tilespmem:s15], [sflag:$0x1] =	stream.indirect.gather [hbm4b:s0+s14], $0x80, s18, s14, $0xb8;
	[tilespmem:$0x1CC00] =	vst v63  }
0x1f: {  	_ =	swait.ge [sflag:s16], $0x4000  }
0x20: {  	[sflag:s16] =	ssyncset.done $0x0  }
0x21: {  	s31 =	simm.s32 $0x2800;
	[sflag:s16] =	ssyncadd.s32 $0xFFFFC000  }
0x22: {  	[spmem:s3] =	stream.indirect.scatter.add.f32 [tilespmem:s15], [sflag:$0x2], $0x80, s31, s14, $0xb8;
	[tilespmem:$0x1CC00] =	vst v63  }
0x23: {  	_ =	swait.ge [sflag:s10], $0x4000  }
0x24: {  	s19 =	simm.s32 $0x400;
	s18 =	simm.s32 $0x200;
	[sflag:s10] =	ssyncset.done $0x0  }
.LBB2_2:
0x25: {  	s20 =	sshra.s32 s18, $0x2  }
0x26: {  	[sflag:s10] =	ssyncadd.s32 $0xFFFFC000;
	s18 =	smov.u32 s19;
	s21 =	sadd.s32 $0x200, s19  }
0x27: {  	[tilespmem:s15], [sflag:$0x1] =	stream.indirect.gather [hbm4b:s0+s14], $0x80, s20, s14, $0xb8;
	[tilespmem:$0x1CC00] =	vst v63  }
0x28: {  	p0 =	sne.s32 s19, $0x9C00;
	_ =	swait.ge [sflag:s16], $0x4000  }
.Ltmp0:
0x29: {  	[sflag:s16] =	ssyncset.done $0x0;
	(pc) =	sbr.rel @p0 .LBB2_2-.Ltmp0, $4  }
0x2a: {  	s19 =	sadd.s32 $0x2800, s20;
	[sflag:s16] =	ssyncadd.s32 $0xFFFFC000  }
0x2b: {  	[spmem:s3] =	stream.indirect.scatter.add.f32 [tilespmem:s15], [sflag:$0x2], $0x80, s19, s14, $0xb8;
	[tilespmem:$0x1CC00] =	vst v63  }
0x2c: {  	_ =	swait.ge [sflag:s10], $0x4000  }
0x2d: {  	s19 =	smov.u32 s21;
	[sflag:s10] =	ssyncset.done $0x0  }
0x2e: {  	s18 =	sshra.s32 s18, $0x2;
	[sflag:s10] =	ssyncadd.s32 $0xFFFFC000  }
0x2f: {  	[tilespmem:s15], [sflag:$0x1] =	stream.indirect.gather [hbm4b:s0+s14], $0x80, s18, s14, $0xb8;
	[tilespmem:$0x1CC00] =	vst v63  }
0x30: {  	_ =	swait.ge [sflag:s16], $0x4000  }
0x31: {  	[sflag:s16] =	ssyncset.done $0x0  }
0x32: {  	s18 =	sadd.s32 $0x2800, s18;
	[sflag:s16] =	ssyncadd.s32 $0xFFFFC000  }
0x33: {  	[spmem:s3] =	stream.indirect.scatter.add.f32 [tilespmem:s15], [sflag:$0x2], $0x80, s18, s14, $0xb8;
	[tilespmem:$0x1CC00] =	vst v63  }
0x34: {  	_ =	swait.ge [sflag:s10], $0x4000  }
0x35: {  	s17 =	sadd.s32 $0x1, s17;
	[sflag:s10] =	ssyncset.done $0x0  }
0x36: {  	p0 =	sne.s32 s17, s9;
	[sflag:s10] =	ssyncadd.s32 $0xFFFFC000  }
.Ltmp1:
0x37: {  	[bflag:$0x0] =	sbarrier.arrive $0xFFFF;
	(pc) =	sbr.rel @p0 .LBB2_1-.Ltmp1, $4  }
0x38: {  	[hbm:s8], [sflag:s12] =	dma.local [spmem:s13], $0x2780  }
0x39: {  	_ =	swait.ge [sflag:s10], $0x2780  }
0x3a: {  	[sflag:s10] =	ssyncset.done $0x0  }
0x3b: {  	[sflag:s10] =	ssyncadd.s32 $0xFFFFD880  }
0x3c: {  	_ =	sfence.sel $0x180000  }
0x3d: {  	[bflag:$0x0] =	sbarrier.arrive $0xFFFF  }
0x3e: {  	p0 =	sne.s32 s1, $0x0;
	_ =	strace $0x90000047  }
0x3f: {  	s0 =	sadd.s32 @!p0 $0x100000, s2;
	[bflag:$0x2] =	sbarrier.arrive $0xFFFF  }
0x40: {  	[sflag:s0] =	ssyncadd.tile.s32 @!p0 $0x1;
	_ =	shalt  }
.Lfunc_end2:
_tile_overlayer_lowered:
.L_overlay_start_2:
0x41: {  	(tag) =	ssettag $0x2  }
0x42: {  	s0 =	rddreg [dreg:$0x0];
	s2 =	stileid.u32  }
0x43: {  	s1 =	rddreg [dreg:$0x1];
	p0 =	sne.s32 s2, $0x0  }
0x44: {  	s3 =	rddreg [dreg:$0x2];
	[bflag:$0x3] =	sbarrier.arrive $0xFFFF;
	s2 =	simm.s32 @!p0 $0x1C02  }
0x45: {  	[timem:s3], [sflag:s2] =	dma.local @!p0 [hbm:s0], s1  }
0x46: {  	s0 =	simm.s32 @!p0 $0x2  }
0x47: {  	_ =	swait.ge @!p0 [sflag:s0], s1  }
0x48: {  	s1 =	ssub.s32 @!p0 $0x0, s1;
	[sflag:s0] =	ssyncset.done @!p0 $0x0  }
0x49: {  	[sflag:s0] =	ssyncadd.s32 @!p0 s1  }
0x4a: {  	[bflag:$0x3] =	sbarrier.arrive $0xFFFF  }
0x4b: {  	_ =	shalt  }

</sc_bundles>
